<compile_context>
chip_gen: v7x
topology: tpu7x:2x2x1
jax: 0.10.2.dev20260603
libtpu: 0.0.44.dev20260713+nightly
codegen_flags: <defaults>
</compile_context>

<pallas_src>
import dataclasses
import functools

import jax
import jax.numpy as jnp
from jax import lax
from jax.experimental import pallas as pl
from jax.experimental.pallas import tpu as pltpu
from jax.experimental.pallas import tpu_sc as plsc

NC = 2
NS = 16
NW = NC * NS
L = 16


def _sc_compiler_params(tc_tiling=None):
    cp = pltpu.CompilerParams()
    if "needs_layout_passes" in pltpu.CompilerParams.__dataclass_fields__:
        cp = dataclasses.replace(cp, needs_layout_passes=False)
    if tc_tiling is not None:
        cp = dataclasses.replace(cp, use_tc_tiling_on_sc=tc_tiling)
    return cp


def _edge_kernel(feats, src, dst, *, n_nodes, n_edges_pad, n_edges, d_feat):
    ew = n_edges_pad // NW
    C = 128
    nchunk = ew // C
    nseg2 = d_feat // (2 * L)
    mesh = plsc.VectorSubcoreMesh(core_axis_name="c", subcore_axis_name="s")

    @functools.partial(
        pl.kernel,
        out_type=(
            jax.ShapeDtypeStruct((n_edges_pad,), jnp.float32),
            jax.ShapeDtypeStruct((NW, n_nodes), jnp.float32),
        ),
        mesh=mesh,
        scratch_types=[
            pltpu.VMEM((ew,), jnp.int32),
            pltpu.VMEM((ew,), jnp.int32),
            pltpu.VMEM((C, d_feat // 2), jnp.int32),
            pltpu.VMEM((C, d_feat // 2), jnp.int32),
            pltpu.VMEM((C, d_feat // 2), jnp.int32),
            pltpu.VMEM((C, d_feat // 2), jnp.int32),
            pltpu.VMEM((C,), jnp.float32),
            pltpu.VMEM((ew,), jnp.float32),
            pltpu.VMEM((n_nodes,), jnp.float32),
            pltpu.SemaphoreType.DMA,
            pltpu.SemaphoreType.DMA,
            pltpu.SemaphoreType.DMA,
            pltpu.SemaphoreType.DMA,
        ],
        compiler_params=_sc_compiler_params(tc_tiling=False),
    )
    def body(feats_hbm, src_hbm, dst_hbm, t_hbm, sp_hbm,
             idxs_all, idxd_all, a0, b0, a1, b1, dbuf, t_all, s_local,
             sa0, sb0, sa1, sb1):
        cid = lax.axis_index("c")
        sid = lax.axis_index("s")
        wid = sid * NC + cid
        base0 = wid * ew

        pltpu.sync_copy(src_hbm.at[pl.ds(base0, ew)], idxs_all)
        pltpu.sync_copy(dst_hbm.at[pl.ds(base0, ew)], idxd_all)

        @pl.loop(0, n_nodes, step=L)
        def _(i):
            s_local[pl.ds(i, L)] = jnp.zeros((L,), jnp.float32)

        lane = lax.iota(jnp.int32, L)
        last_lane = lane == (L - 1)

        def fire(k, a_buf, b_buf, sa, sb):
            pltpu.async_copy(feats_hbm.at[idxs_all.at[pl.ds(k * C, C)]],
                             a_buf, sa)
            pltpu.async_copy(feats_hbm.at[idxd_all.at[pl.ds(k * C, C)]],
                             b_buf, sb)

        def wait(k, a_buf, b_buf, sa, sb):
            pltpu.make_async_copy(feats_hbm.at[idxs_all.at[pl.ds(k * C, C)]],
                                  a_buf, sa).wait()
            pltpu.make_async_copy(feats_hbm.at[idxd_all.at[pl.ds(k * C, C)]],
                                  b_buf, sb).wait()

        def compute(k, a_buf, b_buf):
            @plsc.parallel_loop(0, C, unroll=4)
            def _(i):
                parts = []
                for j in range(nseg2):
                    av = plsc.bitcast(a_buf[i, pl.ds(j * L, L)], jnp.bfloat16)
                    bv = plsc.bitcast(b_buf[i, pl.ds(j * L, L)], jnp.bfloat16)
                    dj = jnp.abs(av - bv)
                    lo, hi = plsc.unpack(dj, format=plsc.PackFormat.INTERLEAVED,
                                         preferred_element_type=jnp.float32)
                    parts.append(lo + hi)
                acc = (parts[0] + parts[1]) + (parts[2] + parts[3])
                csum = plsc.cumsum(acc)
                plsc.store_scatter(dbuf, [jnp.full((L,), i, jnp.int32)],
                                   csum, mask=last_lane)

            @plsc.parallel_loop(0, C, step=L, unroll=2)
            def _(i):
                dv = dbuf[pl.ds(i, L)]
                tv = jnp.exp(jnp.exp(dv * (-0.01)))
                gid = jnp.full((L,), base0 + k * C + i, jnp.int32) + lane
                tv = jnp.where(gid < n_edges, tv, 0.0)
                t_all[pl.ds(k * C + i, L)] = tv
                iv = idxd_all[pl.ds(k * C + i, L)]
                plsc.addupdate_scatter(s_local, [iv], tv)

        fire(0, a0, b0, sa0, sb0)

        @pl.loop(0, nchunk - 1, step=2)
        def _(k):
            fire(k + 1, a1, b1, sa1, sb1)
            wait(k, a0, b0, sa0, sb0)
            compute(k, a0, b0)
            fire(k + 2, a0, b0, sa0, sb0)
            wait(k + 1, a1, b1, sa1, sb1)
            compute(k + 1, a1, b1)

        klast = nchunk - 1
        wait(klast, a0, b0, sa0, sb0)
        compute(klast, a0, b0)

        pltpu.sync_copy(t_all, t_hbm.at[pl.ds(base0, ew)])
        pltpu.sync_copy(s_local, sp_hbm.at[wid])

    return body(feats, src, dst)


def _combine_kernel(sp, *, n_nodes):
    def body(sp_ref, r_ref):
        r_ref[...] = 1.0 / jnp.sum(sp_ref[...], axis=0, keepdims=True)

    return pl.pallas_call(
        body,
        out_shape=jax.ShapeDtypeStruct((1, n_nodes), jnp.float32),
    )(sp)


def _norm_kernel(t, dst, r, *, n_nodes, n_edges_pad):
    ew = n_edges_pad // NW
    G = 128
    ngroups = ew // G
    mesh = plsc.VectorSubcoreMesh(core_axis_name="c", subcore_axis_name="s")

    @functools.partial(
        pl.kernel,
        out_type=jax.ShapeDtypeStruct((n_edges_pad,), jnp.float32),
        mesh=mesh,
        scratch_types=[
            pltpu.VMEM((ew,), jnp.int32),
            pltpu.VMEM((ew,), jnp.float32),
            pltpu.VMEM((ew,), jnp.float32),
            pltpu.SemaphoreType.DMA,
            pltpu.SemaphoreType.DMA,
            pltpu.SemaphoreType.DMA,
            pltpu.SemaphoreType.DMA,
        ],
        compiler_params=_sc_compiler_params(),
    )
    def body(t_hbm, dst_hbm, r_hbm, out_hbm, idx_all, t_all, rv_all,
             sem0, sem1, sem2, sem3):
        cid = lax.axis_index("c")
        sid = lax.axis_index("s")
        wid = sid * NC + cid
        base0 = wid * ew

        pltpu.sync_copy(dst_hbm.at[pl.ds(base0, ew)], idx_all)

        sems = [sem0, sem1, sem2, sem3]
        ntail = ngroups % 4
        nmain = ngroups - ntail

        @pl.loop(0, nmain, step=4)
        def _(j):
            for q in range(4):
                pltpu.async_copy(
                    r_hbm.at[idx_all.at[pl.ds((j + q) * G, G)]],
                    rv_all.at[pl.ds((j + q) * G, G)], sems[q])

        for g in range(nmain, ngroups):
            pltpu.async_copy(r_hbm.at[idx_all.at[pl.ds(g * G, G)]],
                             rv_all.at[pl.ds(g * G, G)], sems[g % 4])

        pltpu.sync_copy(t_hbm.at[pl.ds(base0, ew)], t_all)

        @pl.loop(0, nmain, step=4)
        def _(j):
            for q in range(4):
                pltpu.make_async_copy(
                    r_hbm.at[idx_all.at[pl.ds((j + q) * G, G)]],
                    rv_all.at[pl.ds((j + q) * G, G)], sems[q]).wait()

        for g in range(nmain, ngroups):
            pltpu.make_async_copy(r_hbm.at[idx_all.at[pl.ds(g * G, G)]],
                                  rv_all.at[pl.ds(g * G, G)],
                                  sems[g % 4]).wait()

        @pl.loop(0, ew, step=L)
        def _(i):
            t_all[pl.ds(i, L)] = t_all[pl.ds(i, L)] * rv_all[pl.ds(i, L)]

        pltpu.sync_copy(t_all, out_hbm.at[pl.ds(base0, ew)])

    return body(t, dst, r)


def kernel(feats, edge_index):
    n_nodes, d_feat = feats.shape
    n_edges = edge_index.shape[1]
    chunk = NW * 128
    n_pad = ((n_edges + chunk - 1) // chunk) * chunk
    src = edge_index[0].astype(jnp.int32)
    dst = edge_index[1].astype(jnp.int32)
    fill = jnp.arange(n_pad - n_edges, dtype=jnp.int32) % n_nodes
    src = jnp.concatenate([src, fill])
    dst = jnp.concatenate([dst, fill])
    feats = jax.lax.bitcast_convert_type(
        feats.astype(jnp.bfloat16).reshape(n_nodes, d_feat // 2, 2),
        jnp.int32)
    t, sp = _edge_kernel(feats, src, dst, n_nodes=n_nodes,
                         n_edges_pad=n_pad, n_edges=n_edges, d_feat=d_feat)
    r = _combine_kernel(sp, n_nodes=n_nodes).reshape(n_nodes)
    out = _norm_kernel(t, dst, r, n_nodes=n_nodes, n_edges_pad=n_pad)
    return out[:n_edges].reshape(n_edges, 1)

# --- scband reference (transcript-rebuilt; emitter-appended) ---
"""Pipeline reference for scband-distance-net-21388937134368 (READ-ONLY COPY).

The authoritative reference and input builder live on the scoring server;
editing this copy changes nothing except your own understanding.
"""

import jax, jax.numpy as jnp
import numpy as np

N_NODES = 10000
N_EDGES = 320000
D_FEAT = 128

def setup_inputs(seed: int = 0) -> dict:
    key = jax.random.key(seed)
    k1, k2 = jax.random.split(key)
    feats = jax.random.normal(k1, (N_NODES, D_FEAT), dtype=jnp.float32)
    edge_index = jax.random.randint(k2, (2, N_EDGES), 0, N_NODES, dtype=jnp.int64)
    return {"feats": feats, "edge_index": edge_index}

def reference(feats, edge_index):
    # feats: [N, d]; edge_index: [2, E] with row 0 = src (u), row 1 = dst (v)
    src = edge_index[0]
    dst = edge_index[1]
    N = feats.shape[0]
    # feats.view(-1, 1, d)
    f = feats.reshape(-1, 1, feats.shape[1])  # [N, 1, d]
    # apply_edges(fn.u_sub_v): diff = ftl[src] - ftr[dst]
    diff = jnp.take(f, src, axis=0) - jnp.take(f, dst, axis=0)  # [E, 1, d]
    # e = exp(-1/100 * sum(|diff|, dim=-1))
    e = jnp.exp(-1.0 / 100.0 * jnp.sum(jnp.abs(diff), axis=-1))  # [E, 1]
    # edge_softmax: softmax of e over incoming edges of each dst node
    m = jax.ops.segment_max(e, dst, num_segments=N)  # [N, 1]
    m = jnp.where(jnp.isfinite(m), m, 0.0)
    e_shift = jnp.exp(e - jnp.take(m, dst, axis=0))  # [E, 1]
    s = jax.ops.segment_sum(e_shift, dst, num_segments=N)  # [N, 1]
    out = e_shift / jnp.take(s, dst, axis=0)  # [E, 1]
    return out

if __name__ == "__main__":
    import jax
    _d = setup_inputs()
    print(jax.jit(kernel)(*tuple(_d.values())))

</pallas_src>

<mosaic_0001>
#map = affine_map<(d0, d1) -> (0, 0)>
#map1 = affine_map<(d0, d1) -> (0)>
module attributes {stable_mosaic.version = 14 : i64} {
  func.func @body(%arg0: i32, %arg1: i32, %arg2: memref<10000x64xi32, #tpu.memory_space<hbm>>, %arg3: memref<323584xi32, #tpu.memory_space<hbm>>, %arg4: memref<323584xi32, #tpu.memory_space<hbm>>, %arg5: memref<323584xf32, #tpu.memory_space<hbm>>, %arg6: memref<32x10000xf32, #tpu.memory_space<hbm>>, %arg7: memref<10112xi32, #tpu.memory_space<vmem>>, %arg8: memref<10112xi32, #tpu.memory_space<vmem>>, %arg9: memref<128x64xi32, #tpu.memory_space<vmem>>, %arg10: memref<128x64xi32, #tpu.memory_space<vmem>>, %arg11: memref<128x64xi32, #tpu.memory_space<vmem>>, %arg12: memref<128x64xi32, #tpu.memory_space<vmem>>, %arg13: memref<128xf32, #tpu.memory_space<vmem>>, %arg14: memref<10112xf32, #tpu.memory_space<vmem>>, %arg15: memref<10000xf32, #tpu.memory_space<vmem>>, %arg16: memref<!tpu.dma_semaphore, #tpu.memory_space<semaphore_mem>>, %arg17: memref<!tpu.dma_semaphore, #tpu.memory_space<semaphore_mem>>, %arg18: memref<!tpu.dma_semaphore, #tpu.memory_space<semaphore_mem>>, %arg19: memref<!tpu.dma_semaphore, #tpu.memory_space<semaphore_mem>>) attributes {dimension_semantics = [#tpu.dimension_semantics<core_parallel>, #tpu.dimension_semantics<subcore_parallel>], iteration_bounds = array<i64: 2, 16>, scalar_prefetch = 0 : i64, scratch_operands = 13 : i64, tpu.core_type = #tpu.core_type<sc_vector_subcore>, window_params = [{transform_indices = #map}, {transform_indices = #map1}, {transform_indices = #map1}, {transform_indices = #map1}, {transform_indices = #map}]} {
    %mul3A = arith.constant 2 : i32
    %mul3A_0 = arith.muli %arg1, %mul3A : i32
    %add3A = arith.addi %mul3A_0, %arg0 : i32
    %mul3A_1 = arith.constant 10112 : i32
    %mul3A_2 = arith.muli %add3A, %mul3A_1 : i32
    "tpu.region"() ({
      %run_scoped3A = tpu.sem_alloc : memref<!tpu.dma_semaphore, #tpu.memory_space<semaphore_mem>>
      %dma_start3A_37 = tpu.memref_slice %arg3[%mul3A_2] : memref<323584xi32, #tpu.memory_space<hbm>> -> memref<10112xi32, #tpu.memory_space<hbm>>
      %dma_start3A_38 = tpu.memref_slice %arg3[%mul3A_2] : memref<323584xi32, #tpu.memory_space<hbm>> -> memref<10112xi32, #tpu.memory_space<hbm>>
      tpu.enqueue_dma source(%dma_start3A_38 : memref<10112xi32, #tpu.memory_space<hbm>>) target(%arg7 : memref<10112xi32, #tpu.memory_space<vmem>>) target_semaphore(%run_scoped3A : memref<!tpu.dma_semaphore, #tpu.memory_space<semaphore_mem>>)
      %dma_wait3A_39 = tpu.memref_slice %arg3[%mul3A_2] : memref<323584xi32, #tpu.memory_space<hbm>> -> memref<10112xi32, #tpu.memory_space<hbm>>
      %dma_wait3A_40 = tpu.memref_slice %arg3[%mul3A_2] : memref<323584xi32, #tpu.memory_space<hbm>> -> memref<10112xi32, #tpu.memory_space<hbm>>
      tpu.wait_dma2 semaphore(%run_scoped3A : memref<!tpu.dma_semaphore, #tpu.memory_space<semaphore_mem>>) src(%dma_wait3A_40 : memref<10112xi32, #tpu.memory_space<hbm>>) dst(%arg7 : memref<10112xi32, #tpu.memory_space<vmem>>)
      tpu.yield
    }) : () -> ()
    "tpu.region"() ({
      %run_scoped3A = tpu.sem_alloc : memref<!tpu.dma_semaphore, #tpu.memory_space<semaphore_mem>>
      %dma_start3A_37 = tpu.memref_slice %arg4[%mul3A_2] : memref<323584xi32, #tpu.memory_space<hbm>> -> memref<10112xi32, #tpu.memory_space<hbm>>
      %dma_start3A_38 = tpu.memref_slice %arg4[%mul3A_2] : memref<323584xi32, #tpu.memory_space<hbm>> -> memref<10112xi32, #tpu.memory_space<hbm>>
      tpu.enqueue_dma source(%dma_start3A_38 : memref<10112xi32, #tpu.memory_space<hbm>>) target(%arg8 : memref<10112xi32, #tpu.memory_space<vmem>>) target_semaphore(%run_scoped3A : memref<!tpu.dma_semaphore, #tpu.memory_space<semaphore_mem>>)
      %dma_wait3A_39 = tpu.memref_slice %arg4[%mul3A_2] : memref<323584xi32, #tpu.memory_space<hbm>> -> memref<10112xi32, #tpu.memory_space<hbm>>
      %dma_wait3A_40 = tpu.memref_slice %arg4[%mul3A_2] : memref<323584xi32, #tpu.memory_space<hbm>> -> memref<10112xi32, #tpu.memory_space<hbm>>
      tpu.wait_dma2 semaphore(%run_scoped3A : memref<!tpu.dma_semaphore, #tpu.memory_space<semaphore_mem>>) src(%dma_wait3A_40 : memref<10112xi32, #tpu.memory_space<hbm>>) dst(%arg8 : memref<10112xi32, #tpu.memory_space<vmem>>)
      tpu.yield
    }) : () -> ()
    %scan3A = arith.constant 0 : i32
    %scan3A_3 = arith.constant 625 : i32
    %scan3A_4 = arith.addi %scan3A, %scan3A_3 : i32
    %scan3A_5 = arith.constant 1 : i32
    scf.for %scan3A_37 = %scan3A to %scan3A_4 step %scan3A_5  : i32 {
      %mul3A_38 = arith.constant 16 : i32
      %mul3A_39 = arith.muli %scan3A_37, %mul3A_38 : i32
      %add3A_40 = arith.constant 0 : i32
      %add3A_41 = arith.addi %add3A_40, %mul3A_39 : i32
      %broadcast_in_dim3A = arith.constant 0.000000e+00 : f32
      %broadcast_in_dim3A_42 = vector.broadcast %broadcast_in_dim3A : f32 to vector<16xf32>
      %swap3A = arith.index_cast %add3A_41 : i32 to index
      %swap3A_43 = tpu.vector_load %arg15[%swap3A] {strides = array<i32>} : memref<10000xf32, #tpu.memory_space<vmem>>, vector<16xf32>,
      tpu.vector_store %arg15[%swap3A], %broadcast_in_dim3A_42 {strides = array<i32>} : memref<10000xf32, #tpu.memory_space<vmem>>, vector<16xf32>,
    }
    %scan3A_6 = arith.constant 625 : i32
    %iota3A = tpu.iota {dimensions = array<i32: 0>} : vector<16xi32>
    %eq3A = arith.constant 15 : i32
    %eq3A_7 = vector.broadcast %eq3A : i32 to vector<16xi32>
    %eq3A_8 = arith.cmpi eq, %iota3A, %eq3A_7 : vector<16xi32>
    %dma_start3A = arith.constant 0 : i32
    %dma_start3A_9 = tpu.memref_slice %arg7[%dma_start3A] : memref<10112xi32, #tpu.memory_space<vmem>> -> memref<128xi32, #tpu.memory_space<vmem>>
    %dma_start3A_10 = arith.constant 0 : i32
    %dma_start3A_11 = arith.constant 0 : i32
    %dma_start3A_12 = tpu.memref_slice %arg2[%dma_start3A_10, %dma_start3A_11] : memref<10000x64xi32, #tpu.memory_space<hbm>> -> memref<10000x64xi32, #tpu.memory_space<hbm>>
    tpu.enqueue_indirect_dma source(%dma_start3A_12 : memref<10000x64xi32, #tpu.memory_space<hbm>>) target(%arg9 : memref<128x64xi32, #tpu.memory_space<vmem>>) offsets(%dma_start3A_9 : memref<128xi32, #tpu.memory_space<vmem>>) semaphore(%arg16 : memref<!tpu.dma_semaphore, #tpu.memory_space<semaphore_mem>>)
    %dma_start3A_13 = arith.constant 0 : i32
    %dma_start3A_14 = tpu.memref_slice %arg8[%dma_start3A_13] : memref<10112xi32, #tpu.memory_space<vmem>> -> memref<128xi32, #tpu.memory_space<vmem>>
    %dma_start3A_15 = arith.constant 0 : i32
    %dma_start3A_16 = arith.constant 0 : i32
    %dma_start3A_17 = tpu.memref_slice %arg2[%dma_start3A_15, %dma_start3A_16] : memref<10000x64xi32, #tpu.memory_space<hbm>> -> memref<10000x64xi32, #tpu.memory_space<hbm>>
    tpu.enqueue_indirect_dma source(%dma_start3A_17 : memref<10000x64xi32, #tpu.memory_space<hbm>>) target(%arg10 : memref<128x64xi32, #tpu.memory_space<vmem>>) offsets(%dma_start3A_14 : memref<128xi32, #tpu.memory_space<vmem>>) semaphore(%arg17 : memref<!tpu.dma_semaphore, #tpu.memory_space<semaphore_mem>>)
    %scan3A_18 = arith.constant 0 : i32
    %scan3A_19 = arith.constant 39 : i32
    %scan3A_20 = arith.addi %scan3A_18, %scan3A_19 : i32
    %scan3A_21 = arith.constant 1 : i32
    scf.for %scan3A_37 = %scan3A_18 to %scan3A_20 step %scan3A_21  : i32 {
      %mul3A_38 = arith.constant 2 : i32
      %mul3A_39 = arith.muli %scan3A_37, %mul3A_38 : i32
      %add3A_40 = arith.constant 0 : i32
      %add3A_41 = arith.addi %add3A_40, %mul3A_39 : i32
      %add3A_42 = arith.constant 1 : i32
      %add3A_43 = arith.addi %add3A_41, %add3A_42 : i32
      %mul3A_44 = arith.constant 128 : i32
      %mul3A_45 = arith.muli %add3A_43, %mul3A_44 : i32
      %dma_start3A_46 = tpu.memref_slice %arg7[%mul3A_45] : memref<10112xi32, #tpu.memory_space<vmem>> -> memref<128xi32, #tpu.memory_space<vmem>>
      %dma_start3A_47 = arith.constant 0 : i32
      %dma_start3A_48 = arith.constant 0 : i32
      %dma_start3A_49 = tpu.memref_slice %arg2[%dma_start3A_47, %dma_start3A_48] : memref<10000x64xi32, #tpu.memory_space<hbm>> -> memref<10000x64xi32, #tpu.memory_space<hbm>>
      tpu.enqueue_indirect_dma source(%dma_start3A_49 : memref<10000x64xi32, #tpu.memory_space<hbm>>) target(%arg11 : memref<128x64xi32, #tpu.memory_space<vmem>>) offsets(%dma_start3A_46 : memref<128xi32, #tpu.memory_space<vmem>>) semaphore(%arg18 : memref<!tpu.dma_semaphore, #tpu.memory_space<semaphore_mem>>)
      %mul3A_50 = arith.constant 128 : i32
      %mul3A_51 = arith.muli %add3A_43, %mul3A_50 : i32
      %dma_start3A_52 = tpu.memref_slice %arg8[%mul3A_51] : memref<10112xi32, #tpu.memory_space<vmem>> -> memref<128xi32, #tpu.memory_space<vmem>>
      %dma_start3A_53 = arith.constant 0 : i32
      %dma_start3A_54 = arith.constant 0 : i32
      %dma_start3A_55 = tpu.memref_slice %arg2[%dma_start3A_53, %dma_start3A_54] : memref<10000x64xi32, #tpu.memory_space<hbm>> -> memref<10000x64xi32, #tpu.memory_space<hbm>>
      tpu.enqueue_indirect_dma source(%dma_start3A_55 : memref<10000x64xi32, #tpu.memory_space<hbm>>) target(%arg12 : memref<128x64xi32, #tpu.memory_space<vmem>>) offsets(%dma_start3A_52 : memref<128xi32, #tpu.memory_space<vmem>>) semaphore(%arg19 : memref<!tpu.dma_semaphore, #tpu.memory_space<semaphore_mem>>)
      %mul3A_56 = arith.constant 128 : i32
      %mul3A_57 = arith.muli %add3A_41, %mul3A_56 : i32
      %dma_wait3A_58 = tpu.memref_slice %arg7[%mul3A_57] : memref<10112xi32, #tpu.memory_space<vmem>> -> memref<128xi32, #tpu.memory_space<vmem>>
      %dma_wait3A_59 = arith.constant 0 : i32
      %dma_wait3A_60 = arith.constant 0 : i32
      %dma_wait3A_61 = tpu.memref_slice %arg2[%dma_wait3A_59, %dma_wait3A_60] : memref<10000x64xi32, #tpu.memory_space<hbm>> -> memref<10000x64xi32, #tpu.memory_space<hbm>>
      tpu.wait_indirect_dma semaphore(%arg16 : memref<!tpu.dma_semaphore, #tpu.memory_space<semaphore_mem>>) src(%dma_wait3A_61 : memref<10000x64xi32, #tpu.memory_space<hbm>>) dst(%arg9 : memref<128x64xi32, #tpu.memory_space<vmem>>)
      %mul3A_62 = arith.constant 128 : i32
      %mul3A_63 = arith.muli %add3A_41, %mul3A_62 : i32
      %dma_wait3A_64 = tpu.memref_slice %arg8[%mul3A_63] : memref<10112xi32, #tpu.memory_space<vmem>> -> memref<128xi32, #tpu.memory_space<vmem>>
      %dma_wait3A_65 = arith.constant 0 : i32
      %dma_wait3A_66 = arith.constant 0 : i32
      %dma_wait3A_67 = tpu.memref_slice %arg2[%dma_wait3A_65, %dma_wait3A_66] : memref<10000x64xi32, #tpu.memory_space<hbm>> -> memref<10000x64xi32, #tpu.memory_space<hbm>>
      tpu.wait_indirect_dma semaphore(%arg17 : memref<!tpu.dma_semaphore, #tpu.memory_space<semaphore_mem>>) src(%dma_wait3A_67 : memref<10000x64xi32, #tpu.memory_space<hbm>>) dst(%arg10 : memref<128x64xi32, #tpu.memory_space<vmem>>)
      %parallel_loop3A_68 = arith.constant 0 : i32
      %parallel_loop3A_69 = arith.constant 128 : i32
      %parallel_loop3A_70 = arith.constant 1 : i32
      scf.for %parallel_loop3A_110 = %parallel_loop3A_68 to %parallel_loop3A_69 step %parallel_loop3A_70  : i32 {
        %parallel_loop3A_111 = arith.index_cast %parallel_loop3A_110 : i32 to index
        %parallel_loop3A_112 = arith.constant 0 : index
        %parallel_loop3A_113 = tpu.vector_load %arg9[%parallel_loop3A_111, %parallel_loop3A_112] {strides = array<i32>} : memref<128x64xi32, #tpu.memory_space<vmem>>, vector<16xi32>,
        %parallel_loop3A_114 = vector.bitcast %parallel_loop3A_113 : vector<16xi32> to vector<32xbf16>
        %parallel_loop3A_115 = arith.index_cast %parallel_loop3A_110 : i32 to index
        %parallel_loop3A_116 = arith.constant 0 : index
        %parallel_loop3A_117 = tpu.vector_load %arg10[%parallel_loop3A_115, %parallel_loop3A_116] {strides = array<i32>} : memref<128x64xi32, #tpu.memory_space<vmem>>, vector<16xi32>,
        %parallel_loop3A_118 = vector.bitcast %parallel_loop3A_117 : vector<16xi32> to vector<32xbf16>
        %parallel_loop3A_119 = arith.subf %parallel_loop3A_114, %parallel_loop3A_118 : vector<32xbf16>
        %parallel_loop3A_120 = math.absf %parallel_loop3A_119 : vector<32xbf16>
        %parallel_loop3A_121 = tpu.unpack_subelements %parallel_loop3A_120, 0 {pack_format = #tpu.pack_format<interleaved>} : vector<32xbf16> -> vector<16xf32>
        %parallel_loop3A_122 = tpu.unpack_subelements %parallel_loop3A_120, 1 {pack_format = #tpu.pack_format<interleaved>} : vector<32xbf16> -> vector<16xf32>
        %parallel_loop3A_123 = arith.addf %parallel_loop3A_121, %parallel_loop3A_122 : vector<16xf32>
        %parallel_loop3A_124 = arith.index_cast %parallel_loop3A_110 : i32 to index
        %parallel_loop3A_125 = arith.constant 16 : index
        %parallel_loop3A_126 = tpu.vector_load %arg9[%parallel_loop3A_124, %parallel_loop3A_125] {strides = array<i32>} : memref<128x64xi32, #tpu.memory_space<vmem>>, vector<16xi32>,
        %parallel_loop3A_127 = vector.bitcast %parallel_loop3A_126 : vector<16xi32> to vector<32xbf16>
        %parallel_loop3A_128 = arith.index_cast %parallel_loop3A_110 : i32 to index
        %parallel_loop3A_129 = arith.constant 16 : index
        %parallel_loop3A_130 = tpu.vector_load %arg10[%parallel_loop3A_128, %parallel_loop3A_129] {strides = array<i32>} : memref<128x64xi32, #tpu.memory_space<vmem>>, vector<16xi32>,
        %parallel_loop3A_131 = vector.bitcast %parallel_loop3A_130 : vector<16xi32> to vector<32xbf16>
        %parallel_loop3A_132 = arith.subf %parallel_loop3A_127, %parallel_loop3A_131 : vector<32xbf16>
        %parallel_loop3A_133 = math.absf %parallel_loop3A_132 : vector<32xbf16>
        %parallel_loop3A_134 = tpu.unpack_subelements %parallel_loop3A_133, 0 {pack_format = #tpu.pack_format<interleaved>} : vector<32xbf16> -> vector<16xf32>
        %parallel_loop3A_135 = tpu.unpack_subelements %parallel_loop3A_133, 1 {pack_format = #tpu.pack_format<interleaved>} : vector<32xbf16> -> vector<16xf32>
        %parallel_loop3A_136 = arith.addf %parallel_loop3A_134, %parallel_loop3A_135 : vector<16xf32>
        %parallel_loop3A_137 = arith.index_cast %parallel_loop3A_110 : i32 to index
        %parallel_loop3A_138 = arith.constant 32 : index
        %parallel_loop3A_139 = tpu.vector_load %arg9[%parallel_loop3A_137, %parallel_loop3A_138] {strides = array<i32>} : memref<128x64xi32, #tpu.memory_space<vmem>>, vector<16xi32>,
        %parallel_loop3A_140 = vector.bitcast %parallel_loop3A_139 : vector<16xi32> to vector<32xbf16>
        %parallel_loop3A_141 = arith.index_cast %parallel_loop3A_110 : i32 to index
        %parallel_loop3A_142 = arith.constant 32 : index
        %parallel_loop3A_143 = tpu.vector_load %arg10[%parallel_loop3A_141, %parallel_loop3A_142] {strides = array<i32>} : memref<128x64xi32, #tpu.memory_space<vmem>>, vector<16xi32>,
        %parallel_loop3A_144 = vector.bitcast %parallel_loop3A_143 : vector<16xi32> to vector<32xbf16>
        %parallel_loop3A_145 = arith.subf %parallel_loop3A_140, %parallel_loop3A_144 : vector<32xbf16>
        %parallel_loop3A_146 = math.absf %parallel_loop3A_145 : vector<32xbf16>
        %parallel_loop3A_147 = tpu.unpack_subelements %parallel_loop3A_146, 0 {pack_format = #tpu.pack_format<interleaved>} : vector<32xbf16> -> vector<16xf32>
        %parallel_loop3A_148 = tpu.unpack_subelements %parallel_loop3A_146, 1 {pack_format = #tpu.pack_format<interleaved>} : vector<32xbf16> -> vector<16xf32>
        %parallel_loop3A_149 = arith.addf %parallel_loop3A_147, %parallel_loop3A_148 : vector<16xf32>
        %parallel_loop3A_150 = arith.index_cast %parallel_loop3A_110 : i32 to index
        %parallel_loop3A_151 = arith.constant 48 : index
        %parallel_loop3A_152 = tpu.vector_load %arg9[%parallel_loop3A_150, %parallel_loop3A_151] {strides = array<i32>} : memref<128x64xi32, #tpu.memory_space<vmem>>, vector<16xi32>,
        %parallel_loop3A_153 = vector.bitcast %parallel_loop3A_152 : vector<16xi32> to vector<32xbf16>
        %parallel_loop3A_154 = arith.index_cast %parallel_loop3A_110 : i32 to index
        %parallel_loop3A_155 = arith.constant 48 : index
        %parallel_loop3A_156 = tpu.vector_load %arg10[%parallel_loop3A_154, %parallel_loop3A_155] {strides = array<i32>} : memref<128x64xi32, #tpu.memory_space<vmem>>, vector<16xi32>,
        %parallel_loop3A_157 = vector.bitcast %parallel_loop3A_156 : vector<16xi32> to vector<32xbf16>
        %parallel_loop3A_158 = arith.subf %parallel_loop3A_153, %parallel_loop3A_157 : vector<32xbf16>
        %parallel_loop3A_159 = math.absf %parallel_loop3A_158 : vector<32xbf16>
        %parallel_loop3A_160 = tpu.unpack_subelements %parallel_loop3A_159, 0 {pack_format = #tpu.pack_format<interleaved>} : vector<32xbf16> -> vector<16xf32>
        %parallel_loop3A_161 = tpu.unpack_subelements %parallel_loop3A_159, 1 {pack_format = #tpu.pack_format<interleaved>} : vector<32xbf16> -> vector<16xf32>
        %parallel_loop3A_162 = arith.addf %parallel_loop3A_160, %parallel_loop3A_161 : vector<16xf32>
        %parallel_loop3A_163 = arith.addf %parallel_loop3A_123, %parallel_loop3A_136 : vector<16xf32>
        %parallel_loop3A_164 = arith.addf %parallel_loop3A_149, %parallel_loop3A_162 : vector<16xf32>
        %parallel_loop3A_165 = arith.addf %parallel_loop3A_163, %parallel_loop3A_164 : vector<16xf32>
        %parallel_loop3A_166 = arith.constant true
        %parallel_loop3A_167 = vector.broadcast %parallel_loop3A_166 : i1 to vector<16xi1>
        %parallel_loop3A_168 = tpu.scan <sum>, %parallel_loop3A_165 masked %parallel_loop3A_167 : vector<16xf32>, vector<16xi1> -> vector<16xf32>
        %parallel_loop3A_169 = vector.broadcast %parallel_loop3A_110 : i32 to vector<16xi32>
        tpu.vector_store_idx %arg13[%parallel_loop3A_169], %parallel_loop3A_168 masked %eq3A_8 : memref<128xf32, #tpu.memory_space<vmem>>[vector<16xi32>], vector<16xf32>, vector<16xi1>
      } {sc.loop_unroll_factor = 4 : i64, sc.parallel_access}
      %parallel_loop3A_71 = arith.constant 0 : i32
      %parallel_loop3A_72 = arith.constant 128 : i32
      %parallel_loop3A_73 = arith.constant 16 : i32
      scf.for %parallel_loop3A_110 = %parallel_loop3A_71 to %parallel_loop3A_72 step %parallel_loop3A_73  : i32 {
        %parallel_loop3A_111 = arith.index_cast %parallel_loop3A_110 : i32 to index
        %parallel_loop3A_112 = tpu.vector_load %arg13[%parallel_loop3A_111] {strides = array<i32>} : memref<128xf32, #tpu.memory_space<vmem>>, vector<16xf32>,
        %parallel_loop3A_113 = arith.constant -0.00999999977 : f32
        %parallel_loop3A_114 = vector.broadcast %parallel_loop3A_113 : f32 to vector<16xf32>
        %parallel_loop3A_115 = arith.mulf %parallel_loop3A_112, %parallel_loop3A_114 : vector<16xf32>
        %parallel_loop3A_116 = math.exp %parallel_loop3A_115 : vector<16xf32>
        %parallel_loop3A_117 = math.exp %parallel_loop3A_116 : vector<16xf32>
        %parallel_loop3A_118 = arith.constant 128 : i32
        %parallel_loop3A_119 = arith.muli %add3A_41, %parallel_loop3A_118 : i32
        %parallel_loop3A_120 = arith.addi %mul3A_2, %parallel_loop3A_119 : i32
        %parallel_loop3A_121 = arith.addi %parallel_loop3A_120, %parallel_loop3A_110 : i32
        %parallel_loop3A_122 = vector.broadcast %parallel_loop3A_121 : i32 to vector<16xi32>
        %parallel_loop3A_123 = arith.addi %parallel_loop3A_122, %iota3A : vector<16xi32>
        %parallel_loop3A_124 = arith.constant 320000 : i32
        %parallel_loop3A_125 = vector.broadcast %parallel_loop3A_124 : i32 to vector<16xi32>
        %parallel_loop3A_126 = arith.cmpi slt, %parallel_loop3A_123, %parallel_loop3A_125 : vector<16xi32>
        %parallel_loop3A_127 = arith.constant 0.000000e+00 : f32
        %parallel_loop3A_128 = vector.broadcast %parallel_loop3A_127 : f32 to vector<16xf32>
        %parallel_loop3A_129 = arith.select %parallel_loop3A_126, %parallel_loop3A_117, %parallel_loop3A_128 : vector<16xi1>, vector<16xf32>
        %parallel_loop3A_130 = arith.constant 128 : i32
        %parallel_loop3A_131 = arith.muli %add3A_41, %parallel_loop3A_130 : i32
        %parallel_loop3A_132 = arith.addi %parallel_loop3A_131, %parallel_loop3A_110 : i32
        %parallel_loop3A_133 = arith.index_cast %parallel_loop3A_132 : i32 to index
        %parallel_loop3A_134 = tpu.vector_load %arg14[%parallel_loop3A_133] {strides = array<i32>} : memref<10112xf32, #tpu.memory_space<vmem>>, vector<16xf32>,
        tpu.vector_store %arg14[%parallel_loop3A_133], %parallel_loop3A_129 {strides = array<i32>} : memref<10112xf32, #tpu.memory_space<vmem>>, vector<16xf32>,
        %parallel_loop3A_135 = arith.constant 128 : i32
        %parallel_loop3A_136 = arith.muli %add3A_41, %parallel_loop3A_135 : i32
        %parallel_loop3A_137 = arith.addi %parallel_loop3A_136, %parallel_loop3A_110 : i32
        %parallel_loop3A_138 = arith.index_cast %parallel_loop3A_137 : i32 to index
        %parallel_loop3A_139 = tpu.vector_load %arg8[%parallel_loop3A_138] {strides = array<i32>} : memref<10112xi32, #tpu.memory_space<vmem>>, vector<16xi32>,
        tpu.vector_store_idx %arg15[%parallel_loop3A_139], %parallel_loop3A_129 {add = true} : memref<10000xf32, #tpu.memory_space<vmem>>[vector<16xi32>], vector<16xf32>,
      } {sc.loop_unroll_factor = 2 : i64, sc.parallel_access}
      %add3A_74 = arith.constant 2 : i32
      %add3A_75 = arith.addi %add3A_41, %add3A_74 : i32
      %mul3A_76 = arith.constant 128 : i32
      %mul3A_77 = arith.muli %add3A_75, %mul3A_76 : i32
      %dma_start3A_78 = tpu.memref_slice %arg7[%mul3A_77] : memref<10112xi32, #tpu.memory_space<vmem>> -> memref<128xi32, #tpu.memory_space<vmem>>
      %dma_start3A_79 = arith.constant 0 : i32
      %dma_start3A_80 = arith.constant 0 : i32
      %dma_start3A_81 = tpu.memref_slice %arg2[%dma_start3A_79, %dma_start3A_80] : memref<10000x64xi32, #tpu.memory_space<hbm>> -> memref<10000x64xi32, #tpu.memory_space<hbm>>
      tpu.enqueue_indirect_dma source(%dma_start3A_81 : memref<10000x64xi32, #tpu.memory_space<hbm>>) target(%arg9 : memref<128x64xi32, #tpu.memory_space<vmem>>) offsets(%dma_start3A_78 : memref<128xi32, #tpu.memory_space<vmem>>) semaphore(%arg16 : memref<!tpu.dma_semaphore, #tpu.memory_space<semaphore_mem>>)
      %mul3A_82 = arith.constant 128 : i32
      %mul3A_83 = arith.muli %add3A_75, %mul3A_82 : i32
      %dma_start3A_84 = tpu.memref_slice %arg8[%mul3A_83] : memref<10112xi32, #tpu.memory_space<vmem>> -> memref<128xi32, #tpu.memory_space<vmem>>
      %dma_start3A_85 = arith.constant 0 : i32
      %dma_start3A_86 = arith.constant 0 : i32
      %dma_start3A_87 = tpu.memref_slice %arg2[%dma_start3A_85, %dma_start3A_86] : memref<10000x64xi32, #tpu.memory_space<hbm>> -> memref<10000x64xi32, #tpu.memory_space<hbm>>
      tpu.enqueue_indirect_dma source(%dma_start3A_87 : memref<10000x64xi32, #tpu.memory_space<hbm>>) target(%arg10 : memref<128x64xi32, #tpu.memory_space<vmem>>) offsets(%dma_start3A_84 : memref<128xi32, #tpu.memory_space<vmem>>) semaphore(%arg17 : memref<!tpu.dma_semaphore, #tpu.memory_space<semaphore_mem>>)
      %add3A_88 = arith.constant 1 : i32
      %add3A_89 = arith.addi %add3A_41, %add3A_88 : i32
      %mul3A_90 = arith.constant 128 : i32
      %mul3A_91 = arith.muli %add3A_89, %mul3A_90 : i32
      %dma_wait3A_92 = tpu.memref_slice %arg7[%mul3A_91] : memref<10112xi32, #tpu.memory_space<vmem>> -> memref<128xi32, #tpu.memory_space<vmem>>
      %dma_wait3A_93 = arith.constant 0 : i32
      %dma_wait3A_94 = arith.constant 0 : i32
      %dma_wait3A_95 = tpu.memref_slice %arg2[%dma_wait3A_93, %dma_wait3A_94] : memref<10000x64xi32, #tpu.memory_space<hbm>> -> memref<10000x64xi32, #tpu.memory_space<hbm>>
      tpu.wait_indirect_dma semaphore(%arg18 : memref<!tpu.dma_semaphore, #tpu.memory_space<semaphore_mem>>) src(%dma_wait3A_95 : memref<10000x64xi32, #tpu.memory_space<hbm>>) dst(%arg11 : memref<128x64xi32, #tpu.memory_space<vmem>>)
      %mul3A_96 = arith.constant 128 : i32
      %mul3A_97 = arith.muli %add3A_89, %mul3A_96 : i32
      %dma_wait3A_98 = tpu.memref_slice %arg8[%mul3A_97] : memref<10112xi32, #tpu.memory_space<vmem>> -> memref<128xi32, #tpu.memory_space<vmem>>
      %dma_wait3A_99 = arith.constant 0 : i32
      %dma_wait3A_100 = arith.constant 0 : i32
      %dma_wait3A_101 = tpu.memref_slice %arg2[%dma_wait3A_99, %dma_wait3A_100] : memref<10000x64xi32, #tpu.memory_space<hbm>> -> memref<10000x64xi32, #tpu.memory_space<hbm>>
      tpu.wait_indirect_dma semaphore(%arg19 : memref<!tpu.dma_semaphore, #tpu.memory_space<semaphore_mem>>) src(%dma_wait3A_101 : memref<10000x64xi32, #tpu.memory_space<hbm>>) dst(%arg12 : memref<128x64xi32, #tpu.memory_space<vmem>>)
      %add3A_102 = arith.constant 1 : i32
      %add3A_103 = arith.addi %add3A_41, %add3A_102 : i32
      %parallel_loop3A_104 = arith.constant 0 : i32
      %parallel_loop3A_105 = arith.constant 128 : i32
      %parallel_loop3A_106 = arith.constant 1 : i32
      scf.for %parallel_loop3A_110 = %parallel_loop3A_104 to %parallel_loop3A_105 step %parallel_loop3A_106  : i32 {
        %parallel_loop3A_111 = arith.index_cast %parallel_loop3A_110 : i32 to index
        %parallel_loop3A_112 = arith.constant 0 : index
        %parallel_loop3A_113 = tpu.vector_load %arg11[%parallel_loop3A_111, %parallel_loop3A_112] {strides = array<i32>} : memref<128x64xi32, #tpu.memory_space<vmem>>, vector<16xi32>,
        %parallel_loop3A_114 = vector.bitcast %parallel_loop3A_113 : vector<16xi32> to vector<32xbf16>
        %parallel_loop3A_115 = arith.index_cast %parallel_loop3A_110 : i32 to index
        %parallel_loop3A_116 = arith.constant 0 : index
        %parallel_loop3A_117 = tpu.vector_load %arg12[%parallel_loop3A_115, %parallel_loop3A_116] {strides = array<i32>} : memref<128x64xi32, #tpu.memory_space<vmem>>, vector<16xi32>,
        %parallel_loop3A_118 = vector.bitcast %parallel_loop3A_117 : vector<16xi32> to vector<32xbf16>
        %parallel_loop3A_119 = arith.subf %parallel_loop3A_114, %parallel_loop3A_118 : vector<32xbf16>
        %parallel_loop3A_120 = math.absf %parallel_loop3A_119 : vector<32xbf16>
        %parallel_loop3A_121 = tpu.unpack_subelements %parallel_loop3A_120, 0 {pack_format = #tpu.pack_format<interleaved>} : vector<32xbf16> -> vector<16xf32>
        %parallel_loop3A_122 = tpu.unpack_subelements %parallel_loop3A_120, 1 {pack_format = #tpu.pack_format<interleaved>} : vector<32xbf16> -> vector<16xf32>
        %parallel_loop3A_123 = arith.addf %parallel_loop3A_121, %parallel_loop3A_122 : vector<16xf32>
        %parallel_loop3A_124 = arith.index_cast %parallel_loop3A_110 : i32 to index
        %parallel_loop3A_125 = arith.constant 16 : index
        %parallel_loop3A_126 = tpu.vector_load %arg11[%parallel_loop3A_124, %parallel_loop3A_125] {strides = array<i32>} : memref<128x64xi32, #tpu.memory_space<vmem>>, vector<16xi32>,
        %parallel_loop3A_127 = vector.bitcast %parallel_loop3A_126 : vector<16xi32> to vector<32xbf16>
        %parallel_loop3A_128 = arith.index_cast %parallel_loop3A_110 : i32 to index
        %parallel_loop3A_129 = arith.constant 16 : index
        %parallel_loop3A_130 = tpu.vector_load %arg12[%parallel_loop3A_128, %parallel_loop3A_129] {strides = array<i32>} : memref<128x64xi32, #tpu.memory_space<vmem>>, vector<16xi32>,
        %parallel_loop3A_131 = vector.bitcast %parallel_loop3A_130 : vector<16xi32> to vector<32xbf16>
        %parallel_loop3A_132 = arith.subf %parallel_loop3A_127, %parallel_loop3A_131 : vector<32xbf16>
        %parallel_loop3A_133 = math.absf %parallel_loop3A_132 : vector<32xbf16>
        %parallel_loop3A_134 = tpu.unpack_subelements %parallel_loop3A_133, 0 {pack_format = #tpu.pack_format<interleaved>} : vector<32xbf16> -> vector<16xf32>
        %parallel_loop3A_135 = tpu.unpack_subelements %parallel_loop3A_133, 1 {pack_format = #tpu.pack_format<interleaved>} : vector<32xbf16> -> vector<16xf32>
        %parallel_loop3A_136 = arith.addf %parallel_loop3A_134, %parallel_loop3A_135 : vector<16xf32>
        %parallel_loop3A_137 = arith.index_cast %parallel_loop3A_110 : i32 to index
        %parallel_loop3A_138 = arith.constant 32 : index
        %parallel_loop3A_139 = tpu.vector_load %arg11[%parallel_loop3A_137, %parallel_loop3A_138] {strides = array<i32>} : memref<128x64xi32, #tpu.memory_space<vmem>>, vector<16xi32>,
        %parallel_loop3A_140 = vector.bitcast %parallel_loop3A_139 : vector<16xi32> to vector<32xbf16>
        %parallel_loop3A_141 = arith.index_cast %parallel_loop3A_110 : i32 to index
        %parallel_loop3A_142 = arith.constant 32 : index
        %parallel_loop3A_143 = tpu.vector_load %arg12[%parallel_loop3A_141, %parallel_loop3A_142] {strides = array<i32>} : memref<128x64xi32, #tpu.memory_space<vmem>>, vector<16xi32>,
        %parallel_loop3A_144 = vector.bitcast %parallel_loop3A_143 : vector<16xi32> to vector<32xbf16>
        %parallel_loop3A_145 = arith.subf %parallel_loop3A_140, %parallel_loop3A_144 : vector<32xbf16>
        %parallel_loop3A_146 = math.absf %parallel_loop3A_145 : vector<32xbf16>
        %parallel_loop3A_147 = tpu.unpack_subelements %parallel_loop3A_146, 0 {pack_format = #tpu.pack_format<interleaved>} : vector<32xbf16> -> vector<16xf32>
        %parallel_loop3A_148 = tpu.unpack_subelements %parallel_loop3A_146, 1 {pack_format = #tpu.pack_format<interleaved>} : vector<32xbf16> -> vector<16xf32>
        %parallel_loop3A_149 = arith.addf %parallel_loop3A_147, %parallel_loop3A_148 : vector<16xf32>
        %parallel_loop3A_150 = arith.index_cast %parallel_loop3A_110 : i32 to index
        %parallel_loop3A_151 = arith.constant 48 : index
        %parallel_loop3A_152 = tpu.vector_load %arg11[%parallel_loop3A_150, %parallel_loop3A_151] {strides = array<i32>} : memref<128x64xi32, #tpu.memory_space<vmem>>, vector<16xi32>,
        %parallel_loop3A_153 = vector.bitcast %parallel_loop3A_152 : vector<16xi32> to vector<32xbf16>
        %parallel_loop3A_154 = arith.index_cast %parallel_loop3A_110 : i32 to index
        %parallel_loop3A_155 = arith.constant 48 : index
        %parallel_loop3A_156 = tpu.vector_load %arg12[%parallel_loop3A_154, %parallel_loop3A_155] {strides = array<i32>} : memref<128x64xi32, #tpu.memory_space<vmem>>, vector<16xi32>,
        %parallel_loop3A_157 = vector.bitcast %parallel_loop3A_156 : vector<16xi32> to vector<32xbf16>
        %parallel_loop3A_158 = arith.subf %parallel_loop3A_153, %parallel_loop3A_157 : vector<32xbf16>
        %parallel_loop3A_159 = math.absf %parallel_loop3A_158 : vector<32xbf16>
        %parallel_loop3A_160 = tpu.unpack_subelements %parallel_loop3A_159, 0 {pack_format = #tpu.pack_format<interleaved>} : vector<32xbf16> -> vector<16xf32>
        %parallel_loop3A_161 = tpu.unpack_subelements %parallel_loop3A_159, 1 {pack_format = #tpu.pack_format<interleaved>} : vector<32xbf16> -> vector<16xf32>
        %parallel_loop3A_162 = arith.addf %parallel_loop3A_160, %parallel_loop3A_161 : vector<16xf32>
        %parallel_loop3A_163 = arith.addf %parallel_loop3A_123, %parallel_loop3A_136 : vector<16xf32>
        %parallel_loop3A_164 = arith.addf %parallel_loop3A_149, %parallel_loop3A_162 : vector<16xf32>
        %parallel_loop3A_165 = arith.addf %parallel_loop3A_163, %parallel_loop3A_164 : vector<16xf32>
        %parallel_loop3A_166 = arith.constant true
        %parallel_loop3A_167 = vector.broadcast %parallel_loop3A_166 : i1 to vector<16xi1>
        %parallel_loop3A_168 = tpu.scan <sum>, %parallel_loop3A_165 masked %parallel_loop3A_167 : vector<16xf32>, vector<16xi1> -> vector<16xf32>
        %parallel_loop3A_169 = vector.broadcast %parallel_loop3A_110 : i32 to vector<16xi32>
        tpu.vector_store_idx %arg13[%parallel_loop3A_169], %parallel_loop3A_168 masked %eq3A_8 : memref<128xf32, #tpu.memory_space<vmem>>[vector<16xi32>], vector<16xf32>, vector<16xi1>
      } {sc.loop_unroll_factor = 4 : i64, sc.parallel_access}
      %parallel_loop3A_107 = arith.constant 0 : i32
      %parallel_loop3A_108 = arith.constant 128 : i32
      %parallel_loop3A_109 = arith.constant 16 : i32
      scf.for %parallel_loop3A_110 = %parallel_loop3A_107 to %parallel_loop3A_108 step %parallel_loop3A_109  : i32 {
        %parallel_loop3A_111 = arith.index_cast %parallel_loop3A_110 : i32 to index
        %parallel_loop3A_112 = tpu.vector_load %arg13[%parallel_loop3A_111] {strides = array<i32>} : memref<128xf32, #tpu.memory_space<vmem>>, vector<16xf32>,
        %parallel_loop3A_113 = arith.constant -0.00999999977 : f32
        %parallel_loop3A_114 = vector.broadcast %parallel_loop3A_113 : f32 to vector<16xf32>
        %parallel_loop3A_115 = arith.mulf %parallel_loop3A_112, %parallel_loop3A_114 : vector<16xf32>
        %parallel_loop3A_116 = math.exp %parallel_loop3A_115 : vector<16xf32>
        %parallel_loop3A_117 = math.exp %parallel_loop3A_116 : vector<16xf32>
        %parallel_loop3A_118 = arith.constant 128 : i32
        %parallel_loop3A_119 = arith.muli %add3A_103, %parallel_loop3A_118 : i32
        %parallel_loop3A_120 = arith.addi %mul3A_2, %parallel_loop3A_119 : i32
        %parallel_loop3A_121 = arith.addi %parallel_loop3A_120, %parallel_loop3A_110 : i32
        %parallel_loop3A_122 = vector.broadcast %parallel_loop3A_121 : i32 to vector<16xi32>
        %parallel_loop3A_123 = arith.addi %parallel_loop3A_122, %iota3A : vector<16xi32>
        %parallel_loop3A_124 = arith.constant 320000 : i32
        %parallel_loop3A_125 = vector.broadcast %parallel_loop3A_124 : i32 to vector<16xi32>
        %parallel_loop3A_126 = arith.cmpi slt, %parallel_loop3A_123, %parallel_loop3A_125 : vector<16xi32>
        %parallel_loop3A_127 = arith.constant 0.000000e+00 : f32
        %parallel_loop3A_128 = vector.broadcast %parallel_loop3A_127 : f32 to vector<16xf32>
        %parallel_loop3A_129 = arith.select %parallel_loop3A_126, %parallel_loop3A_117, %parallel_loop3A_128 : vector<16xi1>, vector<16xf32>
        %parallel_loop3A_130 = arith.constant 128 : i32
        %parallel_loop3A_131 = arith.muli %add3A_103, %parallel_loop3A_130 : i32
        %parallel_loop3A_132 = arith.addi %parallel_loop3A_131, %parallel_loop3A_110 : i32
        %parallel_loop3A_133 = arith.index_cast %parallel_loop3A_132 : i32 to index
        %parallel_loop3A_134 = tpu.vector_load %arg14[%parallel_loop3A_133] {strides = array<i32>} : memref<10112xf32, #tpu.memory_space<vmem>>, vector<16xf32>,
        tpu.vector_store %arg14[%parallel_loop3A_133], %parallel_loop3A_129 {strides = array<i32>} : memref<10112xf32, #tpu.memory_space<vmem>>, vector<16xf32>,
        %parallel_loop3A_135 = arith.constant 128 : i32
        %parallel_loop3A_136 = arith.muli %add3A_103, %parallel_loop3A_135 : i32
        %parallel_loop3A_137 = arith.addi %parallel_loop3A_136, %parallel_loop3A_110 : i32
        %parallel_loop3A_138 = arith.index_cast %parallel_loop3A_137 : i32 to index
        %parallel_loop3A_139 = tpu.vector_load %arg8[%parallel_loop3A_138] {strides = array<i32>} : memref<10112xi32, #tpu.memory_space<vmem>>, vector<16xi32>,
        tpu.vector_store_idx %arg15[%parallel_loop3A_139], %parallel_loop3A_129 {add = true} : memref<10000xf32, #tpu.memory_space<vmem>>[vector<16xi32>], vector<16xf32>,
      } {sc.loop_unroll_factor = 2 : i64, sc.parallel_access}
    }
    %scan3A_22 = arith.constant 39 : i32
    %dma_wait3A = arith.constant 9984 : i32
    %dma_wait3A_23 = tpu.memref_slice %arg7[%dma_wait3A] : memref<10112xi32, #tpu.memory_space<vmem>> -> memref<128xi32, #tpu.memory_space<vmem>>
    %dma_wait3A_24 = arith.constant 0 : i32
    %dma_wait3A_25 = arith.constant 0 : i32
    %dma_wait3A_26 = tpu.memref_slice %arg2[%dma_wait3A_24, %dma_wait3A_25] : memref<10000x64xi32, #tpu.memory_space<hbm>> -> memref<10000x64xi32, #tpu.memory_space<hbm>>
    tpu.wait_indirect_dma semaphore(%arg16 : memref<!tpu.dma_semaphore, #tpu.memory_space<semaphore_mem>>) src(%dma_wait3A_26 : memref<10000x64xi32, #tpu.memory_space<hbm>>) dst(%arg9 : memref<128x64xi32, #tpu.memory_space<vmem>>)
    %dma_wait3A_27 = arith.constant 9984 : i32
    %dma_wait3A_28 = tpu.memref_slice %arg8[%dma_wait3A_27] : memref<10112xi32, #tpu.memory_space<vmem>> -> memref<128xi32, #tpu.memory_space<vmem>>
    %dma_wait3A_29 = arith.constant 0 : i32
    %dma_wait3A_30 = arith.constant 0 : i32
    %dma_wait3A_31 = tpu.memref_slice %arg2[%dma_wait3A_29, %dma_wait3A_30] : memref<10000x64xi32, #tpu.memory_space<hbm>> -> memref<10000x64xi32, #tpu.memory_space<hbm>>
    tpu.wait_indirect_dma semaphore(%arg17 : memref<!tpu.dma_semaphore, #tpu.memory_space<semaphore_mem>>) src(%dma_wait3A_31 : memref<10000x64xi32, #tpu.memory_space<hbm>>) dst(%arg10 : memref<128x64xi32, #tpu.memory_space<vmem>>)
    %parallel_loop3A = arith.constant 0 : i32
    %parallel_loop3A_32 = arith.constant 128 : i32
    %parallel_loop3A_33 = arith.constant 1 : i32
    scf.for %parallel_loop3A_37 = %parallel_loop3A to %parallel_loop3A_32 step %parallel_loop3A_33  : i32 {
      %parallel_loop3A_38 = arith.index_cast %parallel_loop3A_37 : i32 to index
      %parallel_loop3A_39 = arith.constant 0 : index
      %parallel_loop3A_40 = tpu.vector_load %arg9[%parallel_loop3A_38, %parallel_loop3A_39] {strides = array<i32>} : memref<128x64xi32, #tpu.memory_space<vmem>>, vector<16xi32>,
      %parallel_loop3A_41 = vector.bitcast %parallel_loop3A_40 : vector<16xi32> to vector<32xbf16>
      %parallel_loop3A_42 = arith.index_cast %parallel_loop3A_37 : i32 to index
      %parallel_loop3A_43 = arith.constant 0 : index
      %parallel_loop3A_44 = tpu.vector_load %arg10[%parallel_loop3A_42, %parallel_loop3A_43] {strides = array<i32>} : memref<128x64xi32, #tpu.memory_space<vmem>>, vector<16xi32>,
      %parallel_loop3A_45 = vector.bitcast %parallel_loop3A_44 : vector<16xi32> to vector<32xbf16>
      %parallel_loop3A_46 = arith.subf %parallel_loop3A_41, %parallel_loop3A_45 : vector<32xbf16>
      %parallel_loop3A_47 = math.absf %parallel_loop3A_46 : vector<32xbf16>
      %parallel_loop3A_48 = tpu.unpack_subelements %parallel_loop3A_47, 0 {pack_format = #tpu.pack_format<interleaved>} : vector<32xbf16> -> vector<16xf32>
      %parallel_loop3A_49 = tpu.unpack_subelements %parallel_loop3A_47, 1 {pack_format = #tpu.pack_format<interleaved>} : vector<32xbf16> -> vector<16xf32>
      %parallel_loop3A_50 = arith.addf %parallel_loop3A_48, %parallel_loop3A_49 : vector<16xf32>
      %parallel_loop3A_51 = arith.index_cast %parallel_loop3A_37 : i32 to index
      %parallel_loop3A_52 = arith.constant 16 : index
      %parallel_loop3A_53 = tpu.vector_load %arg9[%parallel_loop3A_51, %parallel_loop3A_52] {strides = array<i32>} : memref<128x64xi32, #tpu.memory_space<vmem>>, vector<16xi32>,
      %parallel_loop3A_54 = vector.bitcast %parallel_loop3A_53 : vector<16xi32> to vector<32xbf16>
      %parallel_loop3A_55 = arith.index_cast %parallel_loop3A_37 : i32 to index
      %parallel_loop3A_56 = arith.constant 16 : index
      %parallel_loop3A_57 = tpu.vector_load %arg10[%parallel_loop3A_55, %parallel_loop3A_56] {strides = array<i32>} : memref<128x64xi32, #tpu.memory_space<vmem>>, vector<16xi32>,
      %parallel_loop3A_58 = vector.bitcast %parallel_loop3A_57 : vector<16xi32> to vector<32xbf16>
      %parallel_loop3A_59 = arith.subf %parallel_loop3A_54, %parallel_loop3A_58 : vector<32xbf16>
      %parallel_loop3A_60 = math.absf %parallel_loop3A_59 : vector<32xbf16>
      %parallel_loop3A_61 = tpu.unpack_subelements %parallel_loop3A_60, 0 {pack_format = #tpu.pack_format<interleaved>} : vector<32xbf16> -> vector<16xf32>
      %parallel_loop3A_62 = tpu.unpack_subelements %parallel_loop3A_60, 1 {pack_format = #tpu.pack_format<interleaved>} : vector<32xbf16> -> vector<16xf32>
      %parallel_loop3A_63 = arith.addf %parallel_loop3A_61, %parallel_loop3A_62 : vector<16xf32>
      %parallel_loop3A_64 = arith.index_cast %parallel_loop3A_37 : i32 to index
      %parallel_loop3A_65 = arith.constant 32 : index
      %parallel_loop3A_66 = tpu.vector_load %arg9[%parallel_loop3A_64, %parallel_loop3A_65] {strides = array<i32>} : memref<128x64xi32, #tpu.memory_space<vmem>>, vector<16xi32>,
      %parallel_loop3A_67 = vector.bitcast %parallel_loop3A_66 : vector<16xi32> to vector<32xbf16>
      %parallel_loop3A_68 = arith.index_cast %parallel_loop3A_37 : i32 to index
      %parallel_loop3A_69 = arith.constant 32 : index
      %parallel_loop3A_70 = tpu.vector_load %arg10[%parallel_loop3A_68, %parallel_loop3A_69] {strides = array<i32>} : memref<128x64xi32, #tpu.memory_space<vmem>>, vector<16xi32>,
      %parallel_loop3A_71 = vector.bitcast %parallel_loop3A_70 : vector<16xi32> to vector<32xbf16>
      %parallel_loop3A_72 = arith.subf %parallel_loop3A_67, %parallel_loop3A_71 : vector<32xbf16>
      %parallel_loop3A_73 = math.absf %parallel_loop3A_72 : vector<32xbf16>
      %parallel_loop3A_74 = tpu.unpack_subelements %parallel_loop3A_73, 0 {pack_format = #tpu.pack_format<interleaved>} : vector<32xbf16> -> vector<16xf32>
      %parallel_loop3A_75 = tpu.unpack_subelements %parallel_loop3A_73, 1 {pack_format = #tpu.pack_format<interleaved>} : vector<32xbf16> -> vector<16xf32>
      %parallel_loop3A_76 = arith.addf %parallel_loop3A_74, %parallel_loop3A_75 : vector<16xf32>
      %parallel_loop3A_77 = arith.index_cast %parallel_loop3A_37 : i32 to index
      %parallel_loop3A_78 = arith.constant 48 : index
      %parallel_loop3A_79 = tpu.vector_load %arg9[%parallel_loop3A_77, %parallel_loop3A_78] {strides = array<i32>} : memref<128x64xi32, #tpu.memory_space<vmem>>, vector<16xi32>,
      %parallel_loop3A_80 = vector.bitcast %parallel_loop3A_79 : vector<16xi32> to vector<32xbf16>
      %parallel_loop3A_81 = arith.index_cast %parallel_loop3A_37 : i32 to index
      %parallel_loop3A_82 = arith.constant 48 : index
      %parallel_loop3A_83 = tpu.vector_load %arg10[%parallel_loop3A_81, %parallel_loop3A_82] {strides = array<i32>} : memref<128x64xi32, #tpu.memory_space<vmem>>, vector<16xi32>,
      %parallel_loop3A_84 = vector.bitcast %parallel_loop3A_83 : vector<16xi32> to vector<32xbf16>
      %parallel_loop3A_85 = arith.subf %parallel_loop3A_80, %parallel_loop3A_84 : vector<32xbf16>
      %parallel_loop3A_86 = math.absf %parallel_loop3A_85 : vector<32xbf16>
      %parallel_loop3A_87 = tpu.unpack_subelements %parallel_loop3A_86, 0 {pack_format = #tpu.pack_format<interleaved>} : vector<32xbf16> -> vector<16xf32>
      %parallel_loop3A_88 = tpu.unpack_subelements %parallel_loop3A_86, 1 {pack_format = #tpu.pack_format<interleaved>} : vector<32xbf16> -> vector<16xf32>
      %parallel_loop3A_89 = arith.addf %parallel_loop3A_87, %parallel_loop3A_88 : vector<16xf32>
      %parallel_loop3A_90 = arith.addf %parallel_loop3A_50, %parallel_loop3A_63 : vector<16xf32>
      %parallel_loop3A_91 = arith.addf %parallel_loop3A_76, %parallel_loop3A_89 : vector<16xf32>
      %parallel_loop3A_92 = arith.addf %parallel_loop3A_90, %parallel_loop3A_91 : vector<16xf32>
      %parallel_loop3A_93 = arith.constant true
      %parallel_loop3A_94 = vector.broadcast %parallel_loop3A_93 : i1 to vector<16xi1>
      %parallel_loop3A_95 = tpu.scan <sum>, %parallel_loop3A_92 masked %parallel_loop3A_94 : vector<16xf32>, vector<16xi1> -> vector<16xf32>
      %parallel_loop3A_96 = vector.broadcast %parallel_loop3A_37 : i32 to vector<16xi32>
      tpu.vector_store_idx %arg13[%parallel_loop3A_96], %parallel_loop3A_95 masked %eq3A_8 : memref<128xf32, #tpu.memory_space<vmem>>[vector<16xi32>], vector<16xf32>, vector<16xi1>
    } {sc.loop_unroll_factor = 4 : i64, sc.parallel_access}
    %parallel_loop3A_34 = arith.constant 0 : i32
    %parallel_loop3A_35 = arith.constant 128 : i32
    %parallel_loop3A_36 = arith.constant 16 : i32
    scf.for %parallel_loop3A_37 = %parallel_loop3A_34 to %parallel_loop3A_35 step %parallel_loop3A_36  : i32 {
      %parallel_loop3A_38 = arith.index_cast %parallel_loop3A_37 : i32 to index
      %parallel_loop3A_39 = tpu.vector_load %arg13[%parallel_loop3A_38] {strides = array<i32>} : memref<128xf32, #tpu.memory_space<vmem>>, vector<16xf32>,
      %parallel_loop3A_40 = arith.constant -0.00999999977 : f32
      %parallel_loop3A_41 = vector.broadcast %parallel_loop3A_40 : f32 to vector<16xf32>
      %parallel_loop3A_42 = arith.mulf %parallel_loop3A_39, %parallel_loop3A_41 : vector<16xf32>
      %parallel_loop3A_43 = math.exp %parallel_loop3A_42 : vector<16xf32>
      %parallel_loop3A_44 = math.exp %parallel_loop3A_43 : vector<16xf32>
      %parallel_loop3A_45 = arith.constant 9984 : i32
      %parallel_loop3A_46 = arith.addi %mul3A_2, %parallel_loop3A_45 : i32
      %parallel_loop3A_47 = arith.addi %parallel_loop3A_46, %parallel_loop3A_37 : i32
      %parallel_loop3A_48 = vector.broadcast %parallel_loop3A_47 : i32 to vector<16xi32>
      %parallel_loop3A_49 = arith.addi %parallel_loop3A_48, %iota3A : vector<16xi32>
      %parallel_loop3A_50 = arith.constant 320000 : i32
      %parallel_loop3A_51 = vector.broadcast %parallel_loop3A_50 : i32 to vector<16xi32>
      %parallel_loop3A_52 = arith.cmpi slt, %parallel_loop3A_49, %parallel_loop3A_51 : vector<16xi32>
      %parallel_loop3A_53 = arith.constant 0.000000e+00 : f32
      %parallel_loop3A_54 = vector.broadcast %parallel_loop3A_53 : f32 to vector<16xf32>
      %parallel_loop3A_55 = arith.select %parallel_loop3A_52, %parallel_loop3A_44, %parallel_loop3A_54 : vector<16xi1>, vector<16xf32>
      %parallel_loop3A_56 = arith.constant 9984 : i32
      %parallel_loop3A_57 = arith.addi %parallel_loop3A_56, %parallel_loop3A_37 : i32
      %parallel_loop3A_58 = arith.index_cast %parallel_loop3A_57 : i32 to index
      %parallel_loop3A_59 = tpu.vector_load %arg14[%parallel_loop3A_58] {strides = array<i32>} : memref<10112xf32, #tpu.memory_space<vmem>>, vector<16xf32>,
      tpu.vector_store %arg14[%parallel_loop3A_58], %parallel_loop3A_55 {strides = array<i32>} : memref<10112xf32, #tpu.memory_space<vmem>>, vector<16xf32>,
      %parallel_loop3A_60 = arith.constant 9984 : i32
      %parallel_loop3A_61 = arith.addi %parallel_loop3A_60, %parallel_loop3A_37 : i32
      %parallel_loop3A_62 = arith.index_cast %parallel_loop3A_61 : i32 to index
      %parallel_loop3A_63 = tpu.vector_load %arg8[%parallel_loop3A_62] {strides = array<i32>} : memref<10112xi32, #tpu.memory_space<vmem>>, vector<16xi32>,
      tpu.vector_store_idx %arg15[%parallel_loop3A_63], %parallel_loop3A_55 {add = true} : memref<10000xf32, #tpu.memory_space<vmem>>[vector<16xi32>], vector<16xf32>,
    } {sc.loop_unroll_factor = 2 : i64, sc.parallel_access}
    "tpu.region"() ({
      %run_scoped3A = tpu.sem_alloc : memref<!tpu.dma_semaphore, #tpu.memory_space<semaphore_mem>>
      %dma_start3A_37 = tpu.memref_slice %arg5[%mul3A_2] : memref<323584xf32, #tpu.memory_space<hbm>> -> memref<10112xf32, #tpu.memory_space<hbm>>
      %dma_start3A_38 = tpu.memref_slice %arg5[%mul3A_2] : memref<323584xf32, #tpu.memory_space<hbm>> -> memref<10112xf32, #tpu.memory_space<hbm>>
      tpu.enqueue_dma source(%arg14 : memref<10112xf32, #tpu.memory_space<vmem>>) target(%dma_start3A_38 : memref<10112xf32, #tpu.memory_space<hbm>>) target_semaphore(%run_scoped3A : memref<!tpu.dma_semaphore, #tpu.memory_space<semaphore_mem>>)
      %dma_wait3A_39 = tpu.memref_slice %arg5[%mul3A_2] : memref<323584xf32, #tpu.memory_space<hbm>> -> memref<10112xf32, #tpu.memory_space<hbm>>
      %dma_wait3A_40 = tpu.memref_slice %arg5[%mul3A_2] : memref<323584xf32, #tpu.memory_space<hbm>> -> memref<10112xf32, #tpu.memory_space<hbm>>
      tpu.wait_dma2 semaphore(%run_scoped3A : memref<!tpu.dma_semaphore, #tpu.memory_space<semaphore_mem>>) src(%arg14 : memref<10112xf32, #tpu.memory_space<vmem>>) dst(%dma_wait3A_40 : memref<10112xf32, #tpu.memory_space<hbm>>)
      tpu.yield
    }) : () -> ()
    "tpu.region"() ({
      %run_scoped3A = tpu.sem_alloc : memref<!tpu.dma_semaphore, #tpu.memory_space<semaphore_mem>>
      %dma_start3A_37 = arith.constant 0 : i32
      %dma_start3A_38 = tpu.memref_slice %arg6[%add3A, %dma_start3A_37] : memref<32x10000xf32, #tpu.memory_space<hbm>> -> memref<1x10000xf32, #tpu.memory_space<hbm>>
      %dma_start3A_39 = tpu.memref_squeeze %dma_start3A_38 : memref<1x10000xf32, #tpu.memory_space<hbm>> -> memref<10000xf32, #tpu.memory_space<hbm>>
      %dma_start3A_40 = arith.constant 0 : i32
      %dma_start3A_41 = tpu.memref_slice %arg6[%add3A, %dma_start3A_40] : memref<32x10000xf32, #tpu.memory_space<hbm>> -> memref<1x10000xf32, #tpu.memory_space<hbm>>
      %dma_start3A_42 = tpu.memref_squeeze %dma_start3A_41 : memref<1x10000xf32, #tpu.memory_space<hbm>> -> memref<10000xf32, #tpu.memory_space<hbm>>
      tpu.enqueue_dma source(%arg15 : memref<10000xf32, #tpu.memory_space<vmem>>) target(%dma_start3A_42 : memref<10000xf32, #tpu.memory_space<hbm>>) target_semaphore(%run_scoped3A : memref<!tpu.dma_semaphore, #tpu.memory_space<semaphore_mem>>)
      %dma_wait3A_43 = arith.constant 0 : i32
      %dma_wait3A_44 = tpu.memref_slice %arg6[%add3A, %dma_wait3A_43] : memref<32x10000xf32, #tpu.memory_space<hbm>> -> memref<1x10000xf32, #tpu.memory_space<hbm>>
      %dma_wait3A_45 = tpu.memref_squeeze %dma_wait3A_44 : memref<1x10000xf32, #tpu.memory_space<hbm>> -> memref<10000xf32, #tpu.memory_space<hbm>>
      %dma_wait3A_46 = arith.constant 0 : i32
      %dma_wait3A_47 = tpu.memref_slice %arg6[%add3A, %dma_wait3A_46] : memref<32x10000xf32, #tpu.memory_space<hbm>> -> memref<1x10000xf32, #tpu.memory_space<hbm>>
      %dma_wait3A_48 = tpu.memref_squeeze %dma_wait3A_47 : memref<1x10000xf32, #tpu.memory_space<hbm>> -> memref<10000xf32, #tpu.memory_space<hbm>>
      tpu.wait_dma2 semaphore(%run_scoped3A : memref<!tpu.dma_semaphore, #tpu.memory_space<semaphore_mem>>) src(%arg15 : memref<10000xf32, #tpu.memory_space<vmem>>) dst(%dma_wait3A_48 : memref<10000xf32, #tpu.memory_space<hbm>>)
      tpu.yield
    }) : () -> ()
    return
  }
}

#map = affine_map<(d0, d1) -> (0)>
module attributes {stable_mosaic.version = 14 : i64} {
  func.func @body(%arg0: i32, %arg1: i32, %arg2: memref<323584xf32, #tpu.memory_space<hbm>>, %arg3: memref<323584xi32, #tpu.memory_space<hbm>>, %arg4: memref<10000xf32, #tpu.memory_space<hbm>>, %arg5: memref<323584xf32, #tpu.memory_space<hbm>>, %arg6: memref<10112xi32, #tpu.memory_space<vmem>>, %arg7: memref<10112xf32, #tpu.memory_space<vmem>>, %arg8: memref<10112xf32, #tpu.memory_space<vmem>>, %arg9: memref<!tpu.dma_semaphore, #tpu.memory_space<semaphore_mem>>, %arg10: memref<!tpu.dma_semaphore, #tpu.memory_space<semaphore_mem>>, %arg11: memref<!tpu.dma_semaphore, #tpu.memory_space<semaphore_mem>>, %arg12: memref<!tpu.dma_semaphore, #tpu.memory_space<semaphore_mem>>) attributes {dimension_semantics = [#tpu.dimension_semantics<core_parallel>, #tpu.dimension_semantics<subcore_parallel>], iteration_bounds = array<i64: 2, 16>, scalar_prefetch = 0 : i64, scratch_operands = 7 : i64, tpu.core_type = #tpu.core_type<sc_vector_subcore>, window_params = [{transform_indices = #map}, {transform_indices = #map}, {transform_indices = #map}, {transform_indices = #map}]} {
    %mul3A = arith.constant 2 : i32
    %mul3A_0 = arith.muli %arg1, %mul3A : i32
    %add3A = arith.addi %mul3A_0, %arg0 : i32
    %mul3A_1 = arith.constant 10112 : i32
    %mul3A_2 = arith.muli %add3A, %mul3A_1 : i32
    "tpu.region"() ({
      %run_scoped3A = tpu.sem_alloc : memref<!tpu.dma_semaphore, #tpu.memory_space<semaphore_mem>>
      %dma_start3A_51 = tpu.memref_slice %arg3[%mul3A_2] : memref<323584xi32, #tpu.memory_space<hbm>> -> memref<10112xi32, #tpu.memory_space<hbm>>
      %dma_start3A_52 = tpu.memref_slice %arg3[%mul3A_2] : memref<323584xi32, #tpu.memory_space<hbm>> -> memref<10112xi32, #tpu.memory_space<hbm>>
      tpu.enqueue_dma source(%dma_start3A_52 : memref<10112xi32, #tpu.memory_space<hbm>>) target(%arg6 : memref<10112xi32, #tpu.memory_space<vmem>>) target_semaphore(%run_scoped3A : memref<!tpu.dma_semaphore, #tpu.memory_space<semaphore_mem>>)
      %dma_wait3A_53 = tpu.memref_slice %arg3[%mul3A_2] : memref<323584xi32, #tpu.memory_space<hbm>> -> memref<10112xi32, #tpu.memory_space<hbm>>
      %dma_wait3A_54 = tpu.memref_slice %arg3[%mul3A_2] : memref<323584xi32, #tpu.memory_space<hbm>> -> memref<10112xi32, #tpu.memory_space<hbm>>
      tpu.wait_dma2 semaphore(%run_scoped3A : memref<!tpu.dma_semaphore, #tpu.memory_space<semaphore_mem>>) src(%dma_wait3A_54 : memref<10112xi32, #tpu.memory_space<hbm>>) dst(%arg6 : memref<10112xi32, #tpu.memory_space<vmem>>)
      tpu.yield
    }) : () -> ()
    %scan3A = arith.constant 0 : i32
    %scan3A_3 = arith.constant 19 : i32
    %scan3A_4 = arith.addi %scan3A, %scan3A_3 : i32
    %scan3A_5 = arith.constant 1 : i32
    scf.for %scan3A_51 = %scan3A to %scan3A_4 step %scan3A_5  : i32 {
      %mul3A_52 = arith.constant 4 : i32
      %mul3A_53 = arith.muli %scan3A_51, %mul3A_52 : i32
      %add3A_54 = arith.constant 0 : i32
      %add3A_55 = arith.addi %add3A_54, %mul3A_53 : i32
      %add3A_56 = arith.constant 0 : i32
      %add3A_57 = arith.addi %add3A_55, %add3A_56 : i32
      %mul3A_58 = arith.constant 128 : i32
      %mul3A_59 = arith.muli %add3A_57, %mul3A_58 : i32
      %add3A_60 = arith.constant 0 : i32
      %add3A_61 = arith.addi %add3A_55, %add3A_60 : i32
      %mul3A_62 = arith.constant 128 : i32
      %mul3A_63 = arith.muli %add3A_61, %mul3A_62 : i32
      %dma_start3A_64 = tpu.memref_slice %arg8[%mul3A_63] : memref<10112xf32, #tpu.memory_space<vmem>> -> memref<128xf32, #tpu.memory_space<vmem>>
      %dma_start3A_65 = tpu.memref_slice %arg6[%mul3A_59] : memref<10112xi32, #tpu.memory_space<vmem>> -> memref<128xi32, #tpu.memory_space<vmem>>
      %dma_start3A_66 = arith.constant 0 : i32
      %dma_start3A_67 = tpu.memref_slice %arg4[%dma_start3A_66] : memref<10000xf32, #tpu.memory_space<hbm>> -> memref<10000xf32, #tpu.memory_space<hbm>>
      tpu.enqueue_indirect_dma source(%dma_start3A_67 : memref<10000xf32, #tpu.memory_space<hbm>>) target(%dma_start3A_64 : memref<128xf32, #tpu.memory_space<vmem>>) offsets(%dma_start3A_65 : memref<128xi32, #tpu.memory_space<vmem>>) semaphore(%arg9 : memref<!tpu.dma_semaphore, #tpu.memory_space<semaphore_mem>>)
      %add3A_68 = arith.constant 1 : i32
      %add3A_69 = arith.addi %add3A_55, %add3A_68 : i32
      %mul3A_70 = arith.constant 128 : i32
      %mul3A_71 = arith.muli %add3A_69, %mul3A_70 : i32
      %add3A_72 = arith.constant 1 : i32
      %add3A_73 = arith.addi %add3A_55, %add3A_72 : i32
      %mul3A_74 = arith.constant 128 : i32
      %mul3A_75 = arith.muli %add3A_73, %mul3A_74 : i32
      %dma_start3A_76 = tpu.memref_slice %arg8[%mul3A_75] : memref<10112xf32, #tpu.memory_space<vmem>> -> memref<128xf32, #tpu.memory_space<vmem>>
      %dma_start3A_77 = tpu.memref_slice %arg6[%mul3A_71] : memref<10112xi32, #tpu.memory_space<vmem>> -> memref<128xi32, #tpu.memory_space<vmem>>
      %dma_start3A_78 = arith.constant 0 : i32
      %dma_start3A_79 = tpu.memref_slice %arg4[%dma_start3A_78] : memref<10000xf32, #tpu.memory_space<hbm>> -> memref<10000xf32, #tpu.memory_space<hbm>>
      tpu.enqueue_indirect_dma source(%dma_start3A_79 : memref<10000xf32, #tpu.memory_space<hbm>>) target(%dma_start3A_76 : memref<128xf32, #tpu.memory_space<vmem>>) offsets(%dma_start3A_77 : memref<128xi32, #tpu.memory_space<vmem>>) semaphore(%arg10 : memref<!tpu.dma_semaphore, #tpu.memory_space<semaphore_mem>>)
      %add3A_80 = arith.constant 2 : i32
      %add3A_81 = arith.addi %add3A_55, %add3A_80 : i32
      %mul3A_82 = arith.constant 128 : i32
      %mul3A_83 = arith.muli %add3A_81, %mul3A_82 : i32
      %add3A_84 = arith.constant 2 : i32
      %add3A_85 = arith.addi %add3A_55, %add3A_84 : i32
      %mul3A_86 = arith.constant 128 : i32
      %mul3A_87 = arith.muli %add3A_85, %mul3A_86 : i32
      %dma_start3A_88 = tpu.memref_slice %arg8[%mul3A_87] : memref<10112xf32, #tpu.memory_space<vmem>> -> memref<128xf32, #tpu.memory_space<vmem>>
      %dma_start3A_89 = tpu.memref_slice %arg6[%mul3A_83] : memref<10112xi32, #tpu.memory_space<vmem>> -> memref<128xi32, #tpu.memory_space<vmem>>
      %dma_start3A_90 = arith.constant 0 : i32
      %dma_start3A_91 = tpu.memref_slice %arg4[%dma_start3A_90] : memref<10000xf32, #tpu.memory_space<hbm>> -> memref<10000xf32, #tpu.memory_space<hbm>>
      tpu.enqueue_indirect_dma source(%dma_start3A_91 : memref<10000xf32, #tpu.memory_space<hbm>>) target(%dma_start3A_88 : memref<128xf32, #tpu.memory_space<vmem>>) offsets(%dma_start3A_89 : memref<128xi32, #tpu.memory_space<vmem>>) semaphore(%arg11 : memref<!tpu.dma_semaphore, #tpu.memory_space<semaphore_mem>>)
      %add3A_92 = arith.constant 3 : i32
      %add3A_93 = arith.addi %add3A_55, %add3A_92 : i32
      %mul3A_94 = arith.constant 128 : i32
      %mul3A_95 = arith.muli %add3A_93, %mul3A_94 : i32
      %add3A_96 = arith.constant 3 : i32
      %add3A_97 = arith.addi %add3A_55, %add3A_96 : i32
      %mul3A_98 = arith.constant 128 : i32
      %mul3A_99 = arith.muli %add3A_97, %mul3A_98 : i32
      %dma_start3A_100 = tpu.memref_slice %arg8[%mul3A_99] : memref<10112xf32, #tpu.memory_space<vmem>> -> memref<128xf32, #tpu.memory_space<vmem>>
      %dma_start3A_101 = tpu.memref_slice %arg6[%mul3A_95] : memref<10112xi32, #tpu.memory_space<vmem>> -> memref<128xi32, #tpu.memory_space<vmem>>
      %dma_start3A_102 = arith.constant 0 : i32
      %dma_start3A_103 = tpu.memref_slice %arg4[%dma_start3A_102] : memref<10000xf32, #tpu.memory_space<hbm>> -> memref<10000xf32, #tpu.memory_space<hbm>>
      tpu.enqueue_indirect_dma source(%dma_start3A_103 : memref<10000xf32, #tpu.memory_space<hbm>>) target(%dma_start3A_100 : memref<128xf32, #tpu.memory_space<vmem>>) offsets(%dma_start3A_101 : memref<128xi32, #tpu.memory_space<vmem>>) semaphore(%arg12 : memref<!tpu.dma_semaphore, #tpu.memory_space<semaphore_mem>>)
    }
    %scan3A_6 = arith.constant 19 : i32
    %dma_start3A = arith.constant 9728 : i32
    %dma_start3A_7 = tpu.memref_slice %arg8[%dma_start3A] : memref<10112xf32, #tpu.memory_space<vmem>> -> memref<128xf32, #tpu.memory_space<vmem>>
    %dma_start3A_8 = arith.constant 9728 : i32
    %dma_start3A_9 = tpu.memref_slice %arg6[%dma_start3A_8] : memref<10112xi32, #tpu.memory_space<vmem>> -> memref<128xi32, #tpu.memory_space<vmem>>
    %dma_start3A_10 = arith.constant 0 : i32
    %dma_start3A_11 = tpu.memref_slice %arg4[%dma_start3A_10] : memref<10000xf32, #tpu.memory_space<hbm>> -> memref<10000xf32, #tpu.memory_space<hbm>>
    tpu.enqueue_indirect_dma source(%dma_start3A_11 : memref<10000xf32, #tpu.memory_space<hbm>>) target(%dma_start3A_7 : memref<128xf32, #tpu.memory_space<vmem>>) offsets(%dma_start3A_9 : memref<128xi32, #tpu.memory_space<vmem>>) semaphore(%arg9 : memref<!tpu.dma_semaphore, #tpu.memory_space<semaphore_mem>>)
    %dma_start3A_12 = arith.constant 9856 : i32
    %dma_start3A_13 = tpu.memref_slice %arg8[%dma_start3A_12] : memref<10112xf32, #tpu.memory_space<vmem>> -> memref<128xf32, #tpu.memory_space<vmem>>
    %dma_start3A_14 = arith.constant 9856 : i32
    %dma_start3A_15 = tpu.memref_slice %arg6[%dma_start3A_14] : memref<10112xi32, #tpu.memory_space<vmem>> -> memref<128xi32, #tpu.memory_space<vmem>>
    %dma_start3A_16 = arith.constant 0 : i32
    %dma_start3A_17 = tpu.memref_slice %arg4[%dma_start3A_16] : memref<10000xf32, #tpu.memory_space<hbm>> -> memref<10000xf32, #tpu.memory_space<hbm>>
    tpu.enqueue_indirect_dma source(%dma_start3A_17 : memref<10000xf32, #tpu.memory_space<hbm>>) target(%dma_start3A_13 : memref<128xf32, #tpu.memory_space<vmem>>) offsets(%dma_start3A_15 : memref<128xi32, #tpu.memory_space<vmem>>) semaphore(%arg10 : memref<!tpu.dma_semaphore, #tpu.memory_space<semaphore_mem>>)
    %dma_start3A_18 = arith.constant 9984 : i32
    %dma_start3A_19 = tpu.memref_slice %arg8[%dma_start3A_18] : memref<10112xf32, #tpu.memory_space<vmem>> -> memref<128xf32, #tpu.memory_space<vmem>>
    %dma_start3A_20 = arith.constant 9984 : i32
    %dma_start3A_21 = tpu.memref_slice %arg6[%dma_start3A_20] : memref<10112xi32, #tpu.memory_space<vmem>> -> memref<128xi32, #tpu.memory_space<vmem>>
    %dma_start3A_22 = arith.constant 0 : i32
    %dma_start3A_23 = tpu.memref_slice %arg4[%dma_start3A_22] : memref<10000xf32, #tpu.memory_space<hbm>> -> memref<10000xf32, #tpu.memory_space<hbm>>
    tpu.enqueue_indirect_dma source(%dma_start3A_23 : memref<10000xf32, #tpu.memory_space<hbm>>) target(%dma_start3A_19 : memref<128xf32, #tpu.memory_space<vmem>>) offsets(%dma_start3A_21 : memref<128xi32, #tpu.memory_space<vmem>>) semaphore(%arg11 : memref<!tpu.dma_semaphore, #tpu.memory_space<semaphore_mem>>)
    "tpu.region"() ({
      %run_scoped3A = tpu.sem_alloc : memref<!tpu.dma_semaphore, #tpu.memory_space<semaphore_mem>>
      %dma_start3A_51 = tpu.memref_slice %arg2[%mul3A_2] : memref<323584xf32, #tpu.memory_space<hbm>> -> memref<10112xf32, #tpu.memory_space<hbm>>
      %dma_start3A_52 = tpu.memref_slice %arg2[%mul3A_2] : memref<323584xf32, #tpu.memory_space<hbm>> -> memref<10112xf32, #tpu.memory_space<hbm>>
      tpu.enqueue_dma source(%dma_start3A_52 : memref<10112xf32, #tpu.memory_space<hbm>>) target(%arg7 : memref<10112xf32, #tpu.memory_space<vmem>>) target_semaphore(%run_scoped3A : memref<!tpu.dma_semaphore, #tpu.memory_space<semaphore_mem>>)
      %dma_wait3A_53 = tpu.memref_slice %arg2[%mul3A_2] : memref<323584xf32, #tpu.memory_space<hbm>> -> memref<10112xf32, #tpu.memory_space<hbm>>
      %dma_wait3A_54 = tpu.memref_slice %arg2[%mul3A_2] : memref<323584xf32, #tpu.memory_space<hbm>> -> memref<10112xf32, #tpu.memory_space<hbm>>
      tpu.wait_dma2 semaphore(%run_scoped3A : memref<!tpu.dma_semaphore, #tpu.memory_space<semaphore_mem>>) src(%dma_wait3A_54 : memref<10112xf32, #tpu.memory_space<hbm>>) dst(%arg7 : memref<10112xf32, #tpu.memory_space<vmem>>)
      tpu.yield
    }) : () -> ()
    %scan3A_24 = arith.constant 0 : i32
    %scan3A_25 = arith.constant 19 : i32
    %scan3A_26 = arith.addi %scan3A_24, %scan3A_25 : i32
    %scan3A_27 = arith.constant 1 : i32
    scf.for %scan3A_51 = %scan3A_24 to %scan3A_26 step %scan3A_27  : i32 {
      %mul3A_52 = arith.constant 4 : i32
      %mul3A_53 = arith.muli %scan3A_51, %mul3A_52 : i32
      %add3A_54 = arith.constant 0 : i32
      %add3A_55 = arith.addi %add3A_54, %mul3A_53 : i32
      %add3A_56 = arith.constant 0 : i32
      %add3A_57 = arith.addi %add3A_55, %add3A_56 : i32
      %mul3A_58 = arith.constant 128 : i32
      %mul3A_59 = arith.muli %add3A_57, %mul3A_58 : i32
      %add3A_60 = arith.constant 0 : i32
      %add3A_61 = arith.addi %add3A_55, %add3A_60 : i32
      %mul3A_62 = arith.constant 128 : i32
      %mul3A_63 = arith.muli %add3A_61, %mul3A_62 : i32
      %dma_wait3A_64 = tpu.memref_slice %arg8[%mul3A_63] : memref<10112xf32, #tpu.memory_space<vmem>> -> memref<128xf32, #tpu.memory_space<vmem>>
      %dma_wait3A_65 = tpu.memref_slice %arg6[%mul3A_59] : memref<10112xi32, #tpu.memory_space<vmem>> -> memref<128xi32, #tpu.memory_space<vmem>>
      %dma_wait3A_66 = arith.constant 0 : i32
      %dma_wait3A_67 = tpu.memref_slice %arg4[%dma_wait3A_66] : memref<10000xf32, #tpu.memory_space<hbm>> -> memref<10000xf32, #tpu.memory_space<hbm>>
      tpu.wait_indirect_dma semaphore(%arg9 : memref<!tpu.dma_semaphore, #tpu.memory_space<semaphore_mem>>) src(%dma_wait3A_67 : memref<10000xf32, #tpu.memory_space<hbm>>) dst(%dma_wait3A_64 : memref<128xf32, #tpu.memory_space<vmem>>)
      %add3A_68 = arith.constant 1 : i32
      %add3A_69 = arith.addi %add3A_55, %add3A_68 : i32
      %mul3A_70 = arith.constant 128 : i32
      %mul3A_71 = arith.muli %add3A_69, %mul3A_70 : i32
      %add3A_72 = arith.constant 1 : i32
      %add3A_73 = arith.addi %add3A_55, %add3A_72 : i32
      %mul3A_74 = arith.constant 128 : i32
      %mul3A_75 = arith.muli %add3A_73, %mul3A_74 : i32
      %dma_wait3A_76 = tpu.memref_slice %arg8[%mul3A_75] : memref<10112xf32, #tpu.memory_space<vmem>> -> memref<128xf32, #tpu.memory_space<vmem>>
      %dma_wait3A_77 = tpu.memref_slice %arg6[%mul3A_71] : memref<10112xi32, #tpu.memory_space<vmem>> -> memref<128xi32, #tpu.memory_space<vmem>>
      %dma_wait3A_78 = arith.constant 0 : i32
      %dma_wait3A_79 = tpu.memref_slice %arg4[%dma_wait3A_78] : memref<10000xf32, #tpu.memory_space<hbm>> -> memref<10000xf32, #tpu.memory_space<hbm>>
      tpu.wait_indirect_dma semaphore(%arg10 : memref<!tpu.dma_semaphore, #tpu.memory_space<semaphore_mem>>) src(%dma_wait3A_79 : memref<10000xf32, #tpu.memory_space<hbm>>) dst(%dma_wait3A_76 : memref<128xf32, #tpu.memory_space<vmem>>)
      %add3A_80 = arith.constant 2 : i32
      %add3A_81 = arith.addi %add3A_55, %add3A_80 : i32
      %mul3A_82 = arith.constant 128 : i32
      %mul3A_83 = arith.muli %add3A_81, %mul3A_82 : i32
      %add3A_84 = arith.constant 2 : i32
      %add3A_85 = arith.addi %add3A_55, %add3A_84 : i32
      %mul3A_86 = arith.constant 128 : i32
      %mul3A_87 = arith.muli %add3A_85, %mul3A_86 : i32
      %dma_wait3A_88 = tpu.memref_slice %arg8[%mul3A_87] : memref<10112xf32, #tpu.memory_space<vmem>> -> memref<128xf32, #tpu.memory_space<vmem>>
      %dma_wait3A_89 = tpu.memref_slice %arg6[%mul3A_83] : memref<10112xi32, #tpu.memory_space<vmem>> -> memref<128xi32, #tpu.memory_space<vmem>>
      %dma_wait3A_90 = arith.constant 0 : i32
      %dma_wait3A_91 = tpu.memref_slice %arg4[%dma_wait3A_90] : memref<10000xf32, #tpu.memory_space<hbm>> -> memref<10000xf32, #tpu.memory_space<hbm>>
      tpu.wait_indirect_dma semaphore(%arg11 : memref<!tpu.dma_semaphore, #tpu.memory_space<semaphore_mem>>) src(%dma_wait3A_91 : memref<10000xf32, #tpu.memory_space<hbm>>) dst(%dma_wait3A_88 : memref<128xf32, #tpu.memory_space<vmem>>)
      %add3A_92 = arith.constant 3 : i32
      %add3A_93 = arith.addi %add3A_55, %add3A_92 : i32
      %mul3A_94 = arith.constant 128 : i32
      %mul3A_95 = arith.muli %add3A_93, %mul3A_94 : i32
      %add3A_96 = arith.constant 3 : i32
      %add3A_97 = arith.addi %add3A_55, %add3A_96 : i32
      %mul3A_98 = arith.constant 128 : i32
      %mul3A_99 = arith.muli %add3A_97, %mul3A_98 : i32
      %dma_wait3A_100 = tpu.memref_slice %arg8[%mul3A_99] : memref<10112xf32, #tpu.memory_space<vmem>> -> memref<128xf32, #tpu.memory_space<vmem>>
      %dma_wait3A_101 = tpu.memref_slice %arg6[%mul3A_95] : memref<10112xi32, #tpu.memory_space<vmem>> -> memref<128xi32, #tpu.memory_space<vmem>>
      %dma_wait3A_102 = arith.constant 0 : i32
      %dma_wait3A_103 = tpu.memref_slice %arg4[%dma_wait3A_102] : memref<10000xf32, #tpu.memory_space<hbm>> -> memref<10000xf32, #tpu.memory_space<hbm>>
      tpu.wait_indirect_dma semaphore(%arg12 : memref<!tpu.dma_semaphore, #tpu.memory_space<semaphore_mem>>) src(%dma_wait3A_103 : memref<10000xf32, #tpu.memory_space<hbm>>) dst(%dma_wait3A_100 : memref<128xf32, #tpu.memory_space<vmem>>)
    }
    %scan3A_28 = arith.constant 19 : i32
    %dma_wait3A = arith.constant 9728 : i32
    %dma_wait3A_29 = tpu.memref_slice %arg8[%dma_wait3A] : memref<10112xf32, #tpu.memory_space<vmem>> -> memref<128xf32, #tpu.memory_space<vmem>>
    %dma_wait3A_30 = arith.constant 9728 : i32
    %dma_wait3A_31 = tpu.memref_slice %arg6[%dma_wait3A_30] : memref<10112xi32, #tpu.memory_space<vmem>> -> memref<128xi32, #tpu.memory_space<vmem>>
    %dma_wait3A_32 = arith.constant 0 : i32
    %dma_wait3A_33 = tpu.memref_slice %arg4[%dma_wait3A_32] : memref<10000xf32, #tpu.memory_space<hbm>> -> memref<10000xf32, #tpu.memory_space<hbm>>
    tpu.wait_indirect_dma semaphore(%arg9 : memref<!tpu.dma_semaphore, #tpu.memory_space<semaphore_mem>>) src(%dma_wait3A_33 : memref<10000xf32, #tpu.memory_space<hbm>>) dst(%dma_wait3A_29 : memref<128xf32, #tpu.memory_space<vmem>>)
    %dma_wait3A_34 = arith.constant 9856 : i32
    %dma_wait3A_35 = tpu.memref_slice %arg8[%dma_wait3A_34] : memref<10112xf32, #tpu.memory_space<vmem>> -> memref<128xf32, #tpu.memory_space<vmem>>
    %dma_wait3A_36 = arith.constant 9856 : i32
    %dma_wait3A_37 = tpu.memref_slice %arg6[%dma_wait3A_36] : memref<10112xi32, #tpu.memory_space<vmem>> -> memref<128xi32, #tpu.memory_space<vmem>>
    %dma_wait3A_38 = arith.constant 0 : i32
    %dma_wait3A_39 = tpu.memref_slice %arg4[%dma_wait3A_38] : memref<10000xf32, #tpu.memory_space<hbm>> -> memref<10000xf32, #tpu.memory_space<hbm>>
    tpu.wait_indirect_dma semaphore(%arg10 : memref<!tpu.dma_semaphore, #tpu.memory_space<semaphore_mem>>) src(%dma_wait3A_39 : memref<10000xf32, #tpu.memory_space<hbm>>) dst(%dma_wait3A_35 : memref<128xf32, #tpu.memory_space<vmem>>)
    %dma_wait3A_40 = arith.constant 9984 : i32
    %dma_wait3A_41 = tpu.memref_slice %arg8[%dma_wait3A_40] : memref<10112xf32, #tpu.memory_space<vmem>> -> memref<128xf32, #tpu.memory_space<vmem>>
    %dma_wait3A_42 = arith.constant 9984 : i32
    %dma_wait3A_43 = tpu.memref_slice %arg6[%dma_wait3A_42] : memref<10112xi32, #tpu.memory_space<vmem>> -> memref<128xi32, #tpu.memory_space<vmem>>
    %dma_wait3A_44 = arith.constant 0 : i32
    %dma_wait3A_45 = tpu.memref_slice %arg4[%dma_wait3A_44] : memref<10000xf32, #tpu.memory_space<hbm>> -> memref<10000xf32, #tpu.memory_space<hbm>>
    tpu.wait_indirect_dma semaphore(%arg11 : memref<!tpu.dma_semaphore, #tpu.memory_space<semaphore_mem>>) src(%dma_wait3A_45 : memref<10000xf32, #tpu.memory_space<hbm>>) dst(%dma_wait3A_41 : memref<128xf32, #tpu.memory_space<vmem>>)
    %scan3A_46 = arith.constant 0 : i32
    %scan3A_47 = arith.constant 632 : i32
    %scan3A_48 = arith.addi %scan3A_46, %scan3A_47 : i32
    %scan3A_49 = arith.constant 1 : i32
    scf.for %scan3A_51 = %scan3A_46 to %scan3A_48 step %scan3A_49  : i32 {
      %mul3A_52 = arith.constant 16 : i32
      %mul3A_53 = arith.muli %scan3A_51, %mul3A_52 : i32
      %add3A_54 = arith.constant 0 : i32
      %add3A_55 = arith.addi %add3A_54, %mul3A_53 : i32
      %get3A = arith.index_cast %add3A_55 : i32 to index
      %get3A_56 = tpu.vector_load %arg7[%get3A] {strides = array<i32>} : memref<10112xf32, #tpu.memory_space<vmem>>, vector<16xf32>,
      %get3A_57 = arith.index_cast %add3A_55 : i32 to index
      %get3A_58 = tpu.vector_load %arg8[%get3A_57] {strides = array<i32>} : memref<10112xf32, #tpu.memory_space<vmem>>, vector<16xf32>,
      %mul3A_59 = arith.mulf %get3A_56, %get3A_58 : vector<16xf32>
      %swap3A = arith.index_cast %add3A_55 : i32 to index
      %swap3A_60 = tpu.vector_load %arg7[%swap3A] {strides = array<i32>} : memref<10112xf32, #tpu.memory_space<vmem>>, vector<16xf32>,
      tpu.vector_store %arg7[%swap3A], %mul3A_59 {strides = array<i32>} : memref<10112xf32, #tpu.memory_space<vmem>>, vector<16xf32>,
    }
    %scan3A_50 = arith.constant 632 : i32
    "tpu.region"() ({
      %run_scoped3A = tpu.sem_alloc : memref<!tpu.dma_semaphore, #tpu.memory_space<semaphore_mem>>
      %dma_start3A_51 = tpu.memref_slice %arg5[%mul3A_2] : memref<323584xf32, #tpu.memory_space<hbm>> -> memref<10112xf32, #tpu.memory_space<hbm>>
      %dma_start3A_52 = tpu.memref_slice %arg5[%mul3A_2] : memref<323584xf32, #tpu.memory_space<hbm>> -> memref<10112xf32, #tpu.memory_space<hbm>>
      tpu.enqueue_dma source(%arg7 : memref<10112xf32, #tpu.memory_space<vmem>>) target(%dma_start3A_52 : memref<10112xf32, #tpu.memory_space<hbm>>) target_semaphore(%run_scoped3A : memref<!tpu.dma_semaphore, #tpu.memory_space<semaphore_mem>>)
      %dma_wait3A_53 = tpu.memref_slice %arg5[%mul3A_2] : memref<323584xf32, #tpu.memory_space<hbm>> -> memref<10112xf32, #tpu.memory_space<hbm>>
      %dma_wait3A_54 = tpu.memref_slice %arg5[%mul3A_2] : memref<323584xf32, #tpu.memory_space<hbm>> -> memref<10112xf32, #tpu.memory_space<hbm>>
      tpu.wait_dma2 semaphore(%run_scoped3A : memref<!tpu.dma_semaphore, #tpu.memory_space<semaphore_mem>>) src(%arg7 : memref<10112xf32, #tpu.memory_space<vmem>>) dst(%dma_wait3A_54 : memref<10112xf32, #tpu.memory_space<hbm>>)
      tpu.yield
    }) : () -> ()
    return
  }
}

module attributes {stable_mosaic.version = 14 : i64} {
  func.func @body(%arg0: memref<32x10000xf32, #tpu.memory_space<vmem>>, %arg1: memref<1x10000xf32, #tpu.memory_space<vmem>>) attributes {dimension_semantics = [], scalar_prefetch = 0 : i64, scratch_operands = 0 : i64, tpu.core_type = #tpu.core_type<tc>} {
    %get3A = arith.constant 0 : index
    %get3A_0 = arith.constant 0 : index
    %get3A_1 = vector.load %arg0[%get3A, %get3A_0] : memref<32x10000xf32, #tpu.memory_space<vmem>>, vector<32x10000xf32>
    %reduce_sum3A = arith.constant dense<0.000000e+00> : vector<10000xf32>
    %reduce_sum3A_2 = vector.multi_reduction <add>, %get3A_1, %reduce_sum3A [0] : vector<32x10000xf32> to vector<10000xf32>
    %broadcast_in_dim3A = vector.shape_cast %reduce_sum3A_2 : vector<10000xf32> to vector<1x10000xf32>
    %div3A = arith.constant 1.000000e+00 : f32
    %div3A_3 = vector.broadcast %div3A : f32 to vector<1x10000xf32>
    %div3A_4 = arith.divf %div3A_3, %broadcast_in_dim3A : vector<1x10000xf32>
    %swap3A = arith.constant 0 : index
    %swap3A_5 = arith.constant 0 : index
    %swap3A_6 = vector.load %arg1[%swap3A, %swap3A_5] : memref<1x10000xf32, #tpu.memory_space<vmem>>, vector<1x10000xf32>
    tpu.vector_store %arg1[%swap3A, %swap3A_5], %div3A_4 {strides = array<i32>} : memref<1x10000xf32, #tpu.memory_space<vmem>>, vector<1x10000xf32>,
    return
  }
}

</mosaic_0001>

<sc_bundles>
// kernel: kernel.5.cloned.1.call-start
scs
__scs_entry_jumppad:
0x0: {  	(pc) =	sbr.rel $0x88, $3  }
0x1: {  	(tag) =	ssettag $0x0;
	lr =	simm.s32 $0x1  }
0x2: {  	[smem:$0x3F9F] =	sst lr;
	_ =	strace $0xD0000000  }
0x3: {  	_ = 	snop  }
0x4: {  	_ = 	snop  }
0x5: {  	_ = 	snop  }
0x6: {  	_ = 	snop  }
0x7: {  	_ = 	snop  }
__scs_overlays_trampoline_lowered:
0x8: {  	[smem:$0x3FAE] =	sst s0  }
0x9: {  	[smem:$0x3FAF] =	sst s1  }
0xa: {  	[smem:$0x3FB0] =	sst s2  }
0xb: {  	[smem:$0x3FB1] =	sst s3  }
0xc: {  	[smem:$0x3FB2] =	sst s4  }
0xd: {  	[smem:$0x3FB3] =	sst s5  }
0xe: {  	[smem:$0x3FB4] =	sst s6  }
0xf: {  	[smem:$0x3FB5] =	sst s7  }
0x10: {  	[smem:$0x3FB6] =	sst s8  }
0x11: {  	[smem:$0x3FB7] =	sst s9;
	s0 =	simm.s32 @!p0 $0x0  }
0x12: {  	s1 =	sld [smem:$0x3F9D];
	s0 =	simm.s32 @p0 $0x1  }
0x13: {  	[smem:$0x3FB8] =	sst s0;
	s0 =	simm.s32 @!p1 $0x0  }
0x14: {  	s2 =	sld [smem:$0x3F9C];
	s0 =	simm.s32 @p1 $0x1  }
0x15: {  	[smem:$0x3FB9] =	sst s0;
	s0 =	simm.s32 @!p2 $0x0  }
0x16: {  	s3 =	sld [smem:$0x3FDB];
	s0 =	simm.s32 @p2 $0x1  }
0x17: {  	s4 =	simm.s32 $0x1BF5;
	[smem:$0x3FBB] =	sst s0  }
0x18: {  	s0 =	sld [smem:$0x3F9E];
	_ =	swait.ge [sflag:s4], $0x0  }
0x19: {  	s7 =	sld [smem:$0x3F9F]  }
0x1a: {  	s8 =	sadd.s32 $0xFFFFE003, lr  }
0x1b: {  	s9 =	sadd.s32 $0xFFFFFEF7, lr;
	s5 =	simm.s32 $0xFFFFFFFF;
	p2 =	slt.u32 s8, $0xFFFFF086  }
0x1c: {  	p1 =	slt.u32 s9, $0xF7A;
	s5 =	simm.s32 @!p2 $0x0  }
0x1d: {  	s5 =	simm.s32 @p1 $0x1;
	p0 =	seq.s32 s7, s2  }
0x1e: {  	s7 =	smul.u32 @!p0 $0xF7A, s2;
	p2 =	seq.s32 @!p0 s5, $0x0  }
0x1f: {  	s9 =	smul.u32 $0xF7A, s1;
	s8 =	simm.s32 @!p0 $0x1BF5;
	p2 =	por !p2, p0  }
0x20: {  	[sflag:s8] =	ssyncset.s32 @!p0 $0xFFFFF086;
	s6 =	sadd.s32 @!p0 s3, s7;
	s7 =	simm.s32 @!p0 $0x108  }
0x21: {  	s3 =	sadd.s32 s3, s9;
	s6 =	sadd.s32 @!p0 $0x88, s6;
	s7 =	simm.s32 @p2 $0x1082  }
0x22: {  	[simem:s7], [sflag:s8] =	dma.local @!p0 [hbm:s6], $0xF7A  }
0x23: {  	s9 =	sor.u32 $0xD0000000, s2;
	s6 =	simm.s32 $0x108;
	_ =	swait.ge @!p0 [sflag:s8], $0x0  }
0x24: {  	s3 =	sadd.s32 $0x88, s3;
	s6 =	simm.s32 @!p1 $0x1082;
	[sflag:s4] =	ssyncset.s32 $0xFFFFF086  }
0x25: {  	[simem:s6], [sflag:s4] =	dma.local [hbm:s3], $0xF7A  }
0x26: {  	[smem:$0x3F9F] =	sst s1;
	(tag) =	ssettag s2;
	_ =	strace s9  }
0x27: {  	s1 =	sld [smem:$0x3FAF]  }
0x28: {  	s2 =	sld [smem:$0x3FB0]  }
0x29: {  	s4 =	sld [smem:$0x3FB2]  }
0x2a: {  	p0 =	seq.s32 s5, $0x0;
	s5 =	sld [smem:$0x3FB3]  }
0x2b: {  	s6 =	sld [smem:$0x3FB4]  }
0x2c: {  	s7 =	sld [smem:$0x3FB5]  }
0x2d: {  	s3 =	simm.s32 $0x108;
	s8 =	sld [smem:$0x3FB6]  }
0x2e: {  	s3 =	simm.s32 @!p0 $0x1082;
	s9 =	sld [smem:$0x3FB7]  }
0x2f: {  	lr =	sadd.s32 s0, s3;
	s0 =	sld [smem:$0x3FAE]  }
0x30: {  	s3 =	sld [smem:$0x3FB1]  }
0x31: {  	[smem:$0x3FBA] =	sst s10  }
0x32: {  	s10 =	sld [smem:$0x3FB8];
	_ =	sdelay $0x3  }
0x33: {  	p0 =	seq.s32 s10, $0x1;
	s10 =	sld [smem:$0x3FBA];
	_ =	sdelay $0x3  }
0x34: {  	[smem:$0x3FBA] =	sst s10  }
0x35: {  	s10 =	sld [smem:$0x3FB9];
	_ =	sdelay $0x3  }
0x36: {  	p1 =	seq.s32 s10, $0x1;
	s10 =	sld [smem:$0x3FBA];
	_ =	sdelay $0x3  }
0x37: {  	[smem:$0x3FBA] =	sst s10  }
0x38: {  	s10 =	sld [smem:$0x3FBB]  }
0x39: {  	_ = 	snop;
	(pc) =	sbr.ind lr, $3  }
0x3a: {  	_ = 	snop  }
0x3b: {  	_ = 	snop  }
0x3c: {  	p2 =	seq.s32 s10, $0x1;
	s10 =	sld [smem:$0x3FBA]  }
0x3d: {  	_ =	shalt  }
0x3e: {  	_ =	shalt  }
0x3f: {  	_ =	shalt  }
0x40: {  	_ =	shalt  }
0x41: {  	_ =	shalt  }
0x42: {  	_ =	shalt  }
0x43: {  	_ =	shalt  }
0x44: {  	_ =	shalt  }
0x45: {  	_ =	shalt  }
0x46: {  	_ =	shalt  }
0x47: {  	_ =	shalt  }
0x48: {  	_ =	shalt  }
0x49: {  	_ =	shalt  }
0x4a: {  	_ =	shalt  }
0x4b: {  	_ =	shalt  }
0x4c: {  	_ =	shalt  }
0x4d: {  	_ =	shalt  }
0x4e: {  	_ =	shalt  }
0x4f: {  	_ =	shalt  }
0x50: {  	_ =	shalt  }
0x51: {  	_ =	shalt  }
0x52: {  	_ =	shalt  }
0x53: {  	_ =	shalt  }
0x54: {  	_ =	shalt  }
0x55: {  	_ =	shalt  }
0x56: {  	_ =	shalt  }
0x57: {  	_ =	shalt  }
0x58: {  	_ =	shalt  }
0x59: {  	_ =	shalt  }
0x5a: {  	_ =	shalt  }
0x5b: {  	_ =	shalt  }
0x5c: {  	_ =	shalt  }
0x5d: {  	_ =	shalt  }
0x5e: {  	_ =	shalt  }
0x5f: {  	_ =	shalt  }
0x60: {  	_ =	shalt  }
0x61: {  	_ =	shalt  }
0x62: {  	_ =	shalt  }
0x63: {  	_ =	shalt  }
0x64: {  	_ =	shalt  }
0x65: {  	_ =	shalt  }
0x66: {  	_ =	shalt  }
0x67: {  	_ =	shalt  }
0x68: {  	_ =	shalt  }
0x69: {  	_ =	shalt  }
0x6a: {  	_ =	shalt  }
0x6b: {  	_ =	shalt  }
0x6c: {  	_ =	shalt  }
0x6d: {  	_ =	shalt  }
0x6e: {  	_ =	shalt  }
0x6f: {  	_ =	shalt  }
0x70: {  	_ =	shalt  }
0x71: {  	_ =	shalt  }
0x72: {  	_ =	shalt  }
0x73: {  	_ =	shalt  }
0x74: {  	_ =	shalt  }
0x75: {  	_ =	shalt  }
0x76: {  	_ =	shalt  }
0x77: {  	_ =	shalt  }
0x78: {  	_ =	shalt  }
0x79: {  	_ =	shalt  }
0x7a: {  	_ =	shalt  }
0x7b: {  	_ =	shalt  }
0x7c: {  	_ =	shalt  }
0x7d: {  	_ =	shalt  }
0x7e: {  	_ =	shalt  }
0x7f: {  	_ =	shalt  }
0x80: {  	_ =	shalt  }
0x81: {  	_ =	shalt  }
0x82: {  	_ =	shalt  }
0x83: {  	_ =	shalt  }
0x84: {  	_ =	shalt  }
0x85: {  	_ =	shalt  }
0x86: {  	_ =	shalt  }
0x87: {  	_ =	shalt  }
.Lfunc_end0:
.L_simem_size_0:
called_computation_lowered:
.L_overlay_start_0:
0x88: {  	s2 =	sld [smem:$0x3FD9]  }
0x89: {  	s3 =	sld [smem:$0x3FFE];
	_ =	sdelay $0x1  }
0x8a: {  	s1 =	srdreg.scid  }
0x8b: {  	s0 =	sand.u32 $0x1, s1  }
0x8c: {  	s16 =	sshll.u32 s0, $0xA;
	s2 =	sadd.s32 s3, s2  }
0x8d: {  	s2 =	sadd.s32 s2, s16  }
0x8e: {  	[smem:$0x3FC6] =	sst s2  }
0x8f: {  	_ = 	snop  }
0x90: {  	(tm) =	ssettm $0x1  }
0x91: {  	s17 =	sld [smem:$0x3FFB];
	_ =	sdelay $0x3  }
0x92: {  	_ =	strace s17  }
0x93: {  	s2 =	sld [smem:$0x3FFC];
	_ =	sdelay $0x3  }
0x94: {  	_ =	strace s2  }
0x95: {  	s2 =	sld [smem:$0x3FFD];
	_ =	sdelay $0x3  }
0x96: {  	_ =	strace s2  }
0x97: {  	_ =	strace $0x8FFFFFFF  }
0x98: {  	s18 =	sld [smem:$0x3FDB];
	_ =	sdelay $0x1  }
0x99: {  	s19 =	simm.s32 $_scs_section_size  }
0x9a: {  	s4 =	simm.s32 $_size__tile_overlayer_lowered;
	s5 =	simm.s32 $_tile_overlayer_lowered  }
0x9b: {  	s22 =	simm.s32 $0x1BFF;
	s21 =	sshll.u32 s5, $0x1;
	s2 =	sadd.s32 s19, s18  }
0x9c: {  	s6 =	simm.s32 $0x0;
	s20 =	sshll.u32 s4, $0x1;
	s4 =	sadd.s32 s21, s2  }
0x9d: {  	[timem:s6], [sflag:s22] =	dma.local [hbm:s4], s20  }
0x9e: {  	_ =	swait.ge [sflag:s22], s20  }
0x9f: {  	s3 =	ssub.s32 $0x0, s20;
	[sflag:s22] =	ssyncset.done $0x0  }
0xa0: {  	[sflag:s22] =	ssyncadd.s32 s3;
	_ =	sdelay $0x1  }
0xa1: {  	s23 =	simm.s32 $0x1B8B  }
0xa2: {  	_ =	swait.ge [sflag:s23], $0x1  }
0xa3: {  	[sflag:s23] =	ssyncset.done $0x0  }
0xa4: {  	s25 =	simm.s32 $0x1B8E;
	s24 =	sld [smem:$0x3FFE];
	[sflag:s23] =	ssyncadd.s32 $0xFFFFFFFF  }
0xa5: {  	s26 =	simm.s32 $execute0_lowered;
	[smem:$0x3FD2] =	sst s25  }
0xa6: {  	s4 =	sshll.u32 s26, $0x1;
	_ =	strace $0x80000046;
	[dreg:$0x1] =	wrdreg $0xFFFFFFFF  }
0xa7: {  	s28 =	simm.s32 $_size_execute0_lowered;
	s2 =	sadd.s32 s2, s4;
	[dreg:$0x0] =	wrdreg $0x0  }
0xa8: {  	s4 =	sshll.u32 s28, $0x1;
	[dreg:$0x2] =	wrdreg s2  }
0xa9: {  	[dreg:$0x3] =	wrdreg s4  }
0xaa: {  	[dreg:$0x4] =	wrdreg $0xC0  }
0xab: {  	_ =	task [dreg:s6], $0x5FFFF  }
0xac: {  	[dreg:$0x1] =	wrdreg $0xFFFFFFFF  }
0xad: {  	[dreg:$0x0] =	wrdreg $0x60  }
0xae: {  	[dreg:$0x2] =	wrdreg s24  }
0xaf: {  	[dreg:$0x3] =	wrdreg $0x9  }
0xb0: {  	_ =	task.clear_ibuf [dreg:s6], $0x4FFFF;
	_ =	strace $0x90000046  }
0xb1: {  	s29 =	simm.s32 $0x9;
	_ =	strace $0x80000048  }
0xb2: {  	_ =	swait.ge [sflag:s29], $0x1  }
0xb3: {  	[sflag:s29] =	ssyncadd.s32 $0xFFFFFFFF  }
0xb4: {  	_ =	strace $0x90000048  }
0xb5: {  	_ =	sfence  }
0xb6: {  	s30 =	sld [smem:$0x0];
	_ =	sdelay $0x2  }
0xb7: {  	s31 =	sshll.u32 s1, $0xD;
	s1 =	sshrl.u32 s1, $0x2  }
0xb8: {  	s3 =	sand.u32 $0x4000, s31;
	s1 =	sadd.s32 s1, s30  }
0xb9: {  	s0 =	sor.u32 s3, s0;
	s1 =	sshll.u32 s1, $0x11  }
0xba: {  	s0 =	sor.u32 s1, s0  }
0xbb: {  	s0 =	sadd.s32 $0x8F2B, s0  }
0xbc: {  	[sflag:s0] =	ssyncadd.remote.s32 $0x1  }
0xbd: {  	_ =	sfence.sel $0xFFFF  }
0xbe: {  	[dreg:$0x0] =	wrdreg $0xFFFFFFFF;
	(pc) =	sbr.abs _section_cstart, $3  }
0xbf: {  	[dreg:$0x1] =	wrdreg $0xFFFFFFFF  }
0xc0: {  	_ =	task.clear_ibuf [dreg:s6], $0x2FFFF;
	_ =	strace $0x9FFFFFFF  }
0xc1: {  	(tm) =	ssettm $0x7FFFFFFF  }
tec
execute0_lowered:
.L_overlay_start_1:
0x0: {  	(tag) =	ssettag $0x1  }
0x1: {  	s0 =	srdreg.scid;
	s7 =	stileid.u32  }
0x2: {  	s2 =	rddreg [dreg:$0x0];
	s3 =	simm.s32 $0x0;
	s10 =	simm.s32 $0x5  }
0x3: {  	s12 =	simm.s32 $0x80;
	s13 =	simm.s32 $0x4F00;
	s14 =	simm.s32 $0x6F00  }
0x4: {  	s15 =	simm.s32 $0x8F00;
	s16 =	simm.s32 $0xAF00;
	s17 =	simm.s32 $0x1  }
0x5: {  	s18 =	simm.s32 $0x2;
	s0 =	sand.u32 $0x1, s0;
	s1 =	sshll.u32 s7, $0x1  }
0x6: {  	s19 =	simm.s32 $0xCF00;
	s20 =	simm.s32 $0xF700;
	s1 =	sor.u32 s0, s1  }
0x7: {  	s21 =	simm.s32 $0x3;
	s5 =	ssub.s32 $0x2, s0;
	s4 =	smul.u32 $0x2780, s1  }
0x8: {  	[smem:$0x7FF] =	sst s3;
	s1 =	smul.u32 $0x4E2, s1;
	s6 =	sshrl.u32 s5, $0x1  }
0x9: {  	s22 =	simm.s32 $0x4;
	_ =	strace $0x80000047;
	s5 =	ssub.s32 s5, s6  }
0xa: {  	s4 =	sshrl.u32 s4, $0x3;
	s1 =	sadd.s32 s1, s2;
	s31 =	smax.u32 s5, $0x1  }
0xb: {  	s4 =	sadd.s32 s4, s2;
	s1 =	sadd.s32 $0x27600, s1;
	[dreg:$0x6] =	wrdreg s31  }
0xc: {  	s9 =	smul.u32 $0x4F00, s7;
	s29 =	sadd.s32 $0x13A00, s4;
	[dreg:$0x5] =	wrdreg s1  }
0xd: {  	s0 =	smul.u32 $0x2780, s0;
	s30 =	sadd.s32 $0x1D800, s4;
	[dreg:$0x2] =	wrdreg s29  }
0xe: {  	s24 =	simm.s32 $0x0;
	s4 =	sadd.s32 $0x31400, s4;
	[dreg:$0x3] =	wrdreg s30  }
0xf: {  	v0 =	vimm.f32 $0.0e+00;
	vm0 =	vcmask $0x3F3C;
	s9 =	sadd.s32 s0, s9;
	[dreg:$0x4] =	wrdreg s4;
	s4 =	simm.s32 $0x2780  }
.LBB2_1:
0x10: {  	s0 =	rddreg [dreg:$0x2]  }
0x11: {  	[tilespmem:s3], [sflag:$0x5] =	stream.linear.gather [hbm4b:s0+s3], $0x2780, $0x38;
	[tilespmem:$0x11E10] =	vst v63  }
0x12: {  	_ =	swait.ge [sflag:s10], $0x2780  }
0x13: {  	[sflag:s10] =	ssyncset.done $0x0  }
0x14: {  	s31 =	rddreg [dreg:$0x3];
	[sflag:s10] =	ssyncadd.s32 $0xFFFFD880  }
0x15: {  	[tilespmem:s4], [sflag:$0x5] =	stream.linear.gather [hbm4b:s31+s3], $0x2780, $0x38;
	[tilespmem:$0x11E10] =	vst v63  }
0x16: {  	_ =	swait.ge [sflag:s10], $0x2780  }
0x17: {  	[sflag:s10] =	ssyncset.done $0x0  }
0x18: {  	s1 =	simm.s32 $0x0;
	s0 =	simm.s32 $0x40;
	[sflag:s10] =	ssyncadd.s32 $0xFFFFD880  }
.LBB2_2:
0x19: {  	p0 =	sne.s32 s0, $0x9C00;
	[tilespmem:s1+$0xF700] =	vst v0;
	s1 =	smov.u32 s0;
	s0 =	sadd.s32 $0x40, s0  }
.Ltmp0:
0x1a: {  	(pc) =	sbr.rel @p0 .LBB2_2-.Ltmp0, $2  }
0x1b: {  	_ =	sdelay $0x2  }
0x1c: {  	s1 =	sshra.s32 s1, $0x2  }
0x1d: {  	[tilespmem:s1+$0xF700] =	vst v0;
	s25 =	simm.s32 $0x0;
	s26 =	simm.s32 $0x2790;
	s28 =	simm.s32 $0xCF90  }
0x1e: {  	[tilespmem:s13], [sflag:$0x1] =	stream.indirect.gather [hbm4b:s2+s12], $0x40, s25, s12, $0xb8;
	[tilespmem:$0x11E10] =	vst v63  }
0x1f: {  	s29 =	simm.s32 $0x2810;
	s30 =	simm.s32 $0xD010;
	s31 =	smov.u32 s9  }
0x20: {  	[tilespmem:s14], [sflag:$0x2] =	stream.indirect.gather [hbm4b:s2+s12], $0x40, s4, s12, $0xb8;
	[tilespmem:$0x11E10] =	vst v63  }
.LBB2_4:
0x21: {  	s1 =	sshll.u32 s25, $0x8  }
0x22: {  	s0 =	sor.u32 $0x80, s1  }
0x23: {  	[tilespmem:s15], [sflag:$0x3] =	stream.indirect.gather [hbm4b:s2+s12], $0x40, s0, s12, $0xb8;
	[tilespmem:$0x11E10] =	vst v63  }
0x24: {  	s7 =	sadd.s32 $0x2800, s1  }
0x25: {  	[tilespmem:s16], [sflag:$0x4] =	stream.indirect.gather [hbm4b:s2+s12], $0x40, s7, s12, $0xb8;
	[tilespmem:$0x11E10] =	vst v63  }
0x26: {  	_ =	swait.ge [sflag:s17], $0x2000  }
0x27: {  	[sflag:s17] =	ssyncset.done $0x0  }
0x28: {  	[sflag:s17] =	ssyncadd.s32 $0xFFFFE000  }
0x29: {  	_ =	swait.ge [sflag:s18], $0x2000  }
0x2a: {  	[sflag:s18] =	ssyncset.done $0x0  }
0x2b: {  	s8 =	simm.s32 $0x6F80;
	[sflag:s18] =	ssyncadd.s32 $0xFFFFE000  }
0x2c: {  	v3 =	vld [tilespmem:s8+$0xFFFFFFC0]  }
0x2d: {  	s4 =	simm.s32 $0x4F80;
	v5 =	vld [tilespmem:s8+$0x70]  }
0x2e: {  	v7 =	vld [tilespmem:s4+$0x70]  }
0x2f: {  	v1 =	vld [tilespmem:s8+$0x30]  }
0x30: {  	v2 =	vld [tilespmem:s8+$0x20]  }
0x31: {  	v8 =	vld [tilespmem:s4+$0x30]  }
0x32: {  	v9 =	vld [tilespmem:s4+$0x20]  }
0x33: {  	v10 =	vld [tilespmem:s8+$0x10]  }
0x34: {  	v11 =	vld [tilespmem:s4+$0x10]  }
0x35: {  	v12 =	vld [tilespmem:s4+$0xFFFFFFC0]  }
0x36: {  	v13 =	vld [tilespmem:s8+$0x0]  }
0x37: {  	v15 =	vld [tilespmem:s4+$0x0]  }
0x38: {  	v21 =	vld [tilespmem:s8+$0xFFFFFFB0]  }
0x39: {  	s5 =	simm.s32 $0x2;
	v22 =	vld [tilespmem:s4+$0xFFFFFFB0]  }
0x3a: {  	s23 =	simm.s32 $0x1;
	v14 =	vmov s5  }
0x3b: {  	v16 =	vmov s23;
	v17 =	vld [tilespmem:s4+$0xFFFFFF80];
	v8 =	vsub.bf16 v8, v1;
	v9 =	vsub.bf16 v9, v2  }
0x3c: {  	v19 =	vld [tilespmem:s4+$0x50];
	v1 =	vand.u32 $0xFFFFFFFE, v14;
	v10 =	vsub.bf16 v11, v10;
	v13 =	vsub.bf16 v15, v13  }
0x3d: {  	v20 =	vld [tilespmem:s4+$0x40];
	v2 =	vand.u32 $0xFFFFFFFD, v16;
	v3 =	vsub.bf16 v12, v3;
	v5 =	vsub.bf16 v7, v5  }
0x3e: {  	v14 =	vld [tilespmem:s8+$0x50];
	v22 =	vsub.bf16 v22, v21;
	v8 =	vand.u32 $0x7FFF7FFF, v8;
	v9 =	vand.u32 $0x7FFF7FFF, v9  }
0x3f: {  	v11 =	vld [tilespmem:s8+$0x40];
	v10 =	vand.u32 $0x7FFF7FFF, v10;
	v18 =	vunpack.i.u.bf16.f32 v9;
	v9 =	vunpack.i.l.bf16.f32 v9  }
0x40: {  	v13 =	vand.u32 $0x7FFF7FFF, v13;
	v16 =	vunpack.i.u.bf16.f32 v8;
	v9 =	vadd.f32 v9, v18;
	v18 =	vld [tilespmem:s8+$0xFFFFFF80]  }
0x41: {  	v4 =	vld [tilespmem:s4+$0x60];
	v8 =	vunpack.i.l.bf16.f32 v8;
	v15 =	vunpack.i.u.bf16.f32 v10;
	v10 =	vunpack.i.l.bf16.f32 v10  }
0x42: {  	v6 =	vld [tilespmem:s8+$0x60];
	v12 =	vunpack.i.u.bf16.f32 v13;
	v13 =	vunpack.i.l.bf16.f32 v13;
	v10 =	vadd.f32 v10, v15  }
0x43: {  	v15 =	vld [tilespmem:s4+$0xFFFFFF90];
	v8 =	vadd.f32 v8, v16;
	v12 =	vadd.f32 v13, v12  }
0x44: {  	v3 =	vand.u32 $0x7FFF7FFF, v3;
	v13 =	vsub.bf16 v19, v14;
	v19 =	vld [tilespmem:s8+$0xFFFFFF90];
	v11 =	vsub.bf16 v20, v11  }
0x45: {  	v16 =	vld [tilespmem:s8+$0xFFFFFFD0];
	v14 =	vsub.bf16 v17, v18;
	v17 =	vunpack.i.u.bf16.f32 v3;
	v3 =	vunpack.i.l.bf16.f32 v3  }
0x46: {  	v13 =	vand.u32 $0x7FFF7FFF, v13;
	v23 =	vand.u32 $0x7FFF7FFF, v11;
	v18 =	vld [tilespmem:s4+$0xFFFFFFD0];
	v3 =	vadd.f32 v3, v17  }
0x47: {  	v11 =	vunpack.i.u.bf16.f32 v23;
	v17 =	vsub.bf16 v4, v6;
	v4 =	vadd.f32 v10, v12  }
0x48: {  	v12 =	vunpack.i.u.bf16.f32 v13;
	v6 =	vadd.f32 v8, v9;
	v8 =	vunpack.i.l.bf16.f32 v13;
	v10 =	vld [tilespmem:s8+$0xFFFFFFE0]  }
0x49: {  	v9 =	vand.u32 $0x7FFF7FFF, v14;
	v8 =	vadd.f32 v8, v12;
	v14 =	vld [tilespmem:s4+$0xFFFFFFE0];
	v12 =	vsub.bf16 v15, v19  }
0x4a: {  	v15 =	vld [tilespmem:s8+$0xFFFFFFA0];
	v20 =	vand.u32 $0x7FFF7FFF, v17;
	v13 =	vunpack.i.u.bf16.f32 v9;
	v17 =	vunpack.i.l.bf16.f32 v9  }
0x4b: {  	v19 =	vld [tilespmem:s4+$0xFFFFFFA0];
	v24 =	vunpack.i.u.bf16.f32 v20;
	v7 =	vand.u32 $0x7FFF7FFF, v12;
	v16 =	vsub.bf16 v18, v16  }
0x4c: {  	s11 =	simm.s32 $0x4;
	s5 =	simm.s32 $0x5080;
	v9 =	vld [tilespmem:s4+$0xFFFFFFF0];
	v18 =	vunpack.i.l.bf16.f32 v23;
	v23 =	vunpack.i.l.bf16.f32 v20;
	v21 =	vunpack.i.u.bf16.f32 v7  }
0x4d: {  	s23 =	simm.s32 $0x0;
	s0 =	simm.s32 $0xCF10;
	s4 =	simm.s32 $0x7080;
	v12 =	vld [tilespmem:s8+$0xFFFFFFF0];
	v20 =	vand.u32 $0x7FFF7FFF, v22;
	v22 =	vadd.f32 v23, v24;
	v16 =	vand.u32 $0x7FFF7FFF, v16  }
.LBB2_5:
0x4e: {  	v23 =	vld [tilespmem:s4+$0xFFFFFFC0];
	p0 =	slt.u32 s11, $0x7C;
	v24 =	vunpack.i.l.bf16.f32 v7;
	v10 =	vsub.bf16 v14, v10;
	v7 =	vand.u32 $0x7FFF7FFF, v5;
	s6 =	smov.u32 s11;
	s11 =	sadd.s32 $0x4, s11  }
0x4f: {  	v14 =	vunpack.i.u.bf16.f32 v20;
	v5 =	vld [tilespmem:s4+$0x70];
	v25 =	vunpack.i.u.bf16.f32 v7;
	v26 =	vunpack.i.l.bf16.f32 v7  }
0x50: {  	v15 =	vsub.bf16 v19, v15;
	v19 =	vunpack.i.u.bf16.f32 v16;
	v7 =	vld [tilespmem:s5+$0x70];
	v10 =	vand.u32 $0x7FFF7FFF, v10  }
0x51: {  	v13 =	vadd.f32 v17, v13;
	v25 =	vadd.f32 v26, v25;
	v27 =	vld [tilespmem:s4+$0x30];
	v17 =	vunpack.i.u.bf16.f32 v10  }
0x52: {  	v11 =	vadd.f32 v18, v11;
	v16 =	vunpack.i.l.bf16.f32 v16;
	v10 =	vunpack.i.l.bf16.f32 v10;
	v26 =	vld [tilespmem:s5+$0x60]  }
0x53: {  	v20 =	vunpack.i.l.bf16.f32 v20;
	v21 =	vadd.f32 v24, v21;
	v22 =	vadd.f32 v25, v22;
	v18 =	vld [tilespmem:s4+$0x20]  }
0x54: {  	v14 =	vadd.f32 v20, v14;
	v8 =	vadd.f32 v8, v11;
	v15 =	vand.u32 $0x7FFF7FFF, v15;
	v24 =	vld [tilespmem:s4+$0x60]  }
0x55: {  	s7 =	sadd.s32 $0x2, s6;
	v20 =	vunpack.i.u.bf16.f32 v15;
	v10 =	vadd.f32 v10, v17;
	v9 =	vsub.bf16 v9, v12;
	v11 =	vld [tilespmem:s5+$0x30]  }
0x56: {  	v13 =	vadd.f32 v21, v13;
	v17 =	vmov s7;
	v15 =	vunpack.i.l.bf16.f32 v15;
	v12 =	vld [tilespmem:s5+$0x20]  }
0x57: {  	v16 =	vadd.f32 v16, v19;
	v15 =	vadd.f32 v15, v20;
	v9 =	vand.u32 $0x7FFF7FFF, v9;
	v21 =	vld [tilespmem:s4+$0x10]  }
0x58: {  	v4 =	vadd.f32 v6, v4;
	v20 =	vunpack.i.u.bf16.f32 v9;
	v9 =	vunpack.i.l.bf16.f32 v9;
	v19 =	vld [tilespmem:s5+$0x10]  }
0x59: {  	s7 =	sadd.s32 $0x1, s6;
	v3 =	vadd.f32 v16, v3;
	v17 =	vand.u32 $0xFFFFFFFE, v17;
	v8 =	vadd.f32 v22, v8;
	v6 =	vld [tilespmem:s5+$0xFFFFFFC0]  }
0x5a: {  	v16 =	vmov s7;
	v14 =	vadd.f32 v14, v15;
	v22 =	vld [tilespmem:s4+$0x0];
	v11 =	vsub.bf16 v11, v27;
	(xrf2) =	vadd.scan.msk.f32 $0xffff, v4  }
0x5b: {  	v15 =	vand.u32 $0xFFFFFFFD, v16;
	v9 =	vadd.f32 v9, v20;
	v4 =	vld [tilespmem:s5+$0x0];
	v12 =	vsub.bf16 v12, v18  }
0x5c: {  	v13 =	vadd.f32 v14, v13;
	v14 =	vbroadcast v1, $0x0;
	v1 =	vmovc v17;
	v16 =	vld [tilespmem:s5+$0xFFFFFF80];
	v11 =	vand.u32 $0x7FFF7FFF, v11  }
0x5d: {  	v17 =	vsub.bf16 v19, v21;
	v12 =	vand.u32 $0x7FFF7FFF, v12;
	v18 =	vunpack.i.u.bf16.f32 v11;
	v19 =	vld [tilespmem:s4+$0x50];
	(xrf2) =	vadd.scan.msk.f32 $0xffff, v8  }
0x5e: {  	v9 =	vadd.f32 v9, v10;
	v8 =	vunpack.i.u.bf16.f32 v12;
	v12 =	vunpack.i.l.bf16.f32 v12;
	v20 =	vld [tilespmem:s4+$0x40]  }
0x5f: {  	v11 =	vunpack.i.l.bf16.f32 v11;
	v10 =	vand.u32 $0x7FFF7FFF, v17;
	v8 =	vadd.f32 v12, v8;
	v12 =	vld [tilespmem:s5+$0x50]  }
0x60: {  	s7 =	sadd.s32 $0x3, s23;
	v17 =	vld [tilespmem:s4+$0xFFFFFF80];
	v4 =	vsub.bf16 v4, v22;
	v21 =	vunpack.i.u.bf16.f32 v10;
	v10 =	vunpack.i.l.bf16.f32 v10;
	(xrf2) =	vadd.scan.msk.f32 $0xffff, v13  }
0x61: {  	v3 =	vadd.f32 v9, v3;
	v9 =	vmov s7;
	v13 =	vadd.f32 v10, v21;
	v21 =	vld [tilespmem:s5+$0x40]  }
0x62: {  	v11 =	vadd.f32 v11, v18;
	v10 =	vmov s23;
	s23 =	smov.u32 s6;
	v22 =	vld [tilespmem:s5+$0xFFFFFF90];
	v4 =	vand.u32 $0x7FFF7FFF, v4  }
0x63: {  	v6 =	vsub.bf16 v6, v23;
	v18 =	vld [tilespmem:s4+$0xFFFFFFB0];
	v23 =	vunpack.i.u.bf16.f32 v4;
	v4 =	vunpack.i.l.bf16.f32 v4;
	(xrf2) =	vadd.scan.msk.f32 $0xffff, v3  }
0x64: {  	v10 =	vand.u32 $0xFFFFFFFC, v10;
	v25 =	vld [tilespmem:s4+$0xFFFFFFD0];
	v4 =	vadd.f32 v4, v23;
	v3 =	vsub.bf16 v12, v19;
	v12, _, _ =	vpop (xrf2)  }
0x65: {  	v6 =	vand.u32 $0x7FFF7FFF, v6;
	v19 =	vbroadcast v10, $0x0;
	v16 =	vsub.bf16 v16, v17;
	v17 =	vld [tilespmem:s4+$0xFFFFFF90];
	[tilespmem:v14+s19+$0x0] =	vst.idx.msk vm0, v12  }
0x66: {  	v10 =	vunpack.i.u.bf16.f32 v6;
	v6 =	vunpack.i.l.bf16.f32 v6;
	v12 =	vld [tilespmem:s5+$0xFFFFFFD0];
	v23 =	vand.u32 $0x7FFF7FFF, v3  }
0x67: {  	v24 =	vsub.bf16 v26, v24;
	v26 =	vbroadcast v2, $0x0;
	v3 =	vadd.f32 v6, v10;
	v27 =	vld [tilespmem:s5+$0xFFFFFFB0];
	v2, _, _ =	vpop (xrf2)  }
0x68: {  	v4 =	vadd.f32 v13, v4;
	v13 =	vsub.bf16 v21, v20;
	v20 =	vunpack.i.u.bf16.f32 v23;
	v10 =	vld [tilespmem:s4+$0xFFFFFFE0];
	[tilespmem:v9+s19+$0x0] =	vst.idx.msk vm0, v2  }
0x69: {  	v6 =	vadd.f32 v11, v8;
	v21 =	vand.u32 $0x7FFF7FFF, v24;
	v8 =	vunpack.i.l.bf16.f32 v23;
	v2 =	vmovc v15;
	v14 =	vld [tilespmem:s5+$0xFFFFFFE0]  }
0x6a: {  	v9 =	vand.u32 $0x7FFF7FFF, v16;
	v23 =	vand.u32 $0x7FFF7FFF, v13;
	v8 =	vadd.f32 v8, v20;
	v11, _, _ =	vpop (xrf2)  }
.Ltmp1:
0x6b: {  	v20 =	vsub.bf16 v22, v17;
	v22 =	vunpack.i.u.bf16.f32 v21;
	v15 =	vld [tilespmem:s4+$0xFFFFFFA0];
	v25 =	vsub.bf16 v12, v25;
	[tilespmem:v19+s19+$0x0] =	vst.idx.msk vm0, v11;
	(pc) =	sbr.rel @p0 .LBB2_5-.Ltmp1, $4  }
0x6c: {  	v5 =	vsub.bf16 v7, v5;
	v13 =	vunpack.i.u.bf16.f32 v9;
	v11 =	vunpack.i.u.bf16.f32 v23;
	v19 =	vld [tilespmem:s5+$0xFFFFFFA0]  }
0x6d: {  	v17 =	vunpack.i.l.bf16.f32 v9;
	v24 =	vsub.bf16 v27, v18;
	v16 =	vand.u32 $0x7FFF7FFF, v25;
	v12, _, _ =	vpop (xrf2)  }
0x6e: {  	v7 =	vand.u32 $0x7FFF7FFF, v20;
	v18 =	vunpack.i.l.bf16.f32 v23;
	v23 =	vunpack.i.l.bf16.f32 v21;
	v9 =	vld [tilespmem:s5+$0xFFFFFFF0];
	[tilespmem:v26+s19+$0x0] =	vst.idx.msk vm0, v12  }
0x6f: {  	v21 =	vunpack.i.u.bf16.f32 v7;
	v22 =	vadd.f32 v23, v22;
	v20 =	vand.u32 $0x7FFF7FFF, v24;
	s5 =	sadd.s32 $0x100, s5;
	v12 =	vld [tilespmem:s4+$0xFFFFFFF0];
	s4 =	sadd.s32 $0x100, s4  }
0x70: {  	v7 =	vunpack.i.l.bf16.f32 v7  }
0x71: {  	v10 =	vsub.bf16 v14, v10;
	v5 =	vand.u32 $0x7FFF7FFF, v5;
	v54 =	vunpack.i.u.bf16.f32 v20  }
0x72: {  	v55 =	vunpack.i.u.bf16.f32 v16;
	v13 =	vadd.f32 v17, v13;
	v57 =	vunpack.i.l.bf16.f32 v16  }
0x73: {  	v11 =	vadd.f32 v18, v11;
	v58 =	vunpack.i.l.bf16.f32 v20;
	v4 =	vadd.f32 v6, v4  }
0x74: {  	v23 =	vunpack.i.u.bf16.f32 v5;
	v15 =	vsub.bf16 v19, v15;
	v7 =	vadd.f32 v7, v21  }
0x75: {  	v5 =	vunpack.i.l.bf16.f32 v5;
	v14 =	vadd.f32 v58, v54;
	v61 =	vadd.f32 v57, v55  }
0x76: {  	v10 =	vand.u32 $0x7FFF7FFF, v10;
	v5 =	vadd.f32 v5, v23;
	v8 =	vadd.f32 v8, v11  }
0x77: {  	v56 =	vunpack.i.u.bf16.f32 v10;
	v10 =	vunpack.i.l.bf16.f32 v10;
	v9 =	vsub.bf16 v9, v12  }
0x78: {  	v15 =	vand.u32 $0x7FFF7FFF, v15;
	v7 =	vadd.f32 v7, v13;
	v5 =	vadd.f32 v5, v22  }
0x79: {  	v59 =	vunpack.i.u.bf16.f32 v15;
	v60 =	vunpack.i.l.bf16.f32 v15;
	v9 =	vand.u32 $0x7FFF7FFF, v9  }
0x7a: {  	v11 =	vadd.f32 v60, v59;
	v62 =	vunpack.i.u.bf16.f32 v9;
	v9 =	vunpack.i.l.bf16.f32 v9  }
0x7b: {  	v10 =	vadd.f32 v10, v56;
	v6 =	vadd.f32 v9, v62  }
0x7c: {  	v3 =	vadd.f32 v61, v3;
	v63 =	vadd.f32 v14, v11  }
0x7d: {  	v5 =	vadd.f32 v5, v8;
	v6 =	vadd.f32 v6, v10  }
0x7e: {  	(xrf2) =	vadd.scan.msk.f32 $0xffff, v4;
	v4 =	vadd.f32 v63, v7  }
0x7f: {  	(xrf2) =	vadd.scan.msk.f32 $0xffff, v5;
	v3 =	vadd.f32 v6, v3  }
0x80: {  	(xrf2) =	vadd.scan.msk.f32 $0xffff, v4  }
0x81: {  	(xrf2) =	vadd.scan.msk.f32 $0xffff, v3;
	_ =	sdelay $0x1  }
0x82: {  	v1 =	vbroadcast v1, $0x0;
	v3 =	vmov s23  }
0x83: {  	s4 =	sadd.s32 $0x3, s23;
	v3 =	vand.u32 $0xFFFFFFFC, v3  }
0x84: {  	v4 =	vmov s4;
	v3 =	vbroadcast v3, $0x0  }
0x85: {  	v2 =	vbroadcast v2, $0x0;
	_ =	sdelay $0x1  }
0x86: {  	v5, _, _ =	vpop (xrf2)  }
0x87: {  	[tilespmem:v1+s19+$0x0] =	vst.idx.msk vm0, v5;
	v1, _, _ =	vpop (xrf2)  }
0x88: {  	[tilespmem:v4+s19+$0x0] =	vst.idx.msk vm0, v1;
	v1, _, _ =	vpop (xrf2)  }
0x89: {  	[tilespmem:v3+s19+$0x0] =	vst.idx.msk vm0, v1;
	v1, _, _ =	vpop (xrf2)  }
0x8a: {  	[tilespmem:v2+s19+$0x0] =	vst.idx.msk vm0, v1  }
0x8b: {  	v1 =	vld [tilespmem:s0+$0x0];
	_ =	sdelay $0x4  }
0x8c: {  	v2 =	vld [tilespmem:s0+$0xFFFFFFF0];
	v1 =	vmul.f32 $-9.999999770e-03, v1;
	_ =	sdelay $0x1  }
0x8d: {  	v1 =	vmul.f32 $1.442695020e+00, v1;
	_ =	sdelay $0x1  }
0x8e: {  	(erf) = vpow2.f32 v1  }
0x8f: {  	v2 =	vmul.f32 $-9.999999770e-03, v2;
	_ =	sdelay $0x1  }
0x90: {  	v1 =	vmul.f32 $1.442695020e+00, v2;
	_ =	sdelay $0x1  }
0x91: {  	s7 =	simm.s32 $0xCF30;
	(erf) = vpow2.f32 v1  }
0x92: {  	v1 =	vld [tilespmem:s7+$0x0]  }
0x93: {  	v2 =	vld [tilespmem:s7+$0xFFFFFFF0];
	_ =	sdelay $0x1  }
0x94: {  	v3 =	vpop (erf)  }
0x95: {  	v3 =	vmul.f32 $1.442695020e+00, v3  }
0x96: {  	v1 =	vmul.f32 $-9.999999770e-03, v1  }
0x97: {  	v2 =	vmul.f32 $-9.999999770e-03, v2  }
0x98: {  	v1 =	vmul.f32 $1.442695020e+00, v1  }
0x99: {  	v2 =	vmul.f32 $1.442695020e+00, v2;
	(erf) = vpow2.f32 v3;
	v3 =	vpop (erf)  }
0x9a: {  	(erf) = vpow2.f32 v1;
	v1 =	vmul.f32 $1.442695020e+00, v3  }
0x9b: {  	(erf) = vpow2.f32 v2  }
0x9c: {  	s8 =	simm.s32 $0xCF50;
	(erf) = vpow2.f32 v1  }
0x9d: {  	v1 =	vld [tilespmem:s8+$0x0];
	_ =	sdelay $0x1  }
0x9e: {  	v2 =	vld [tilespmem:s8+$0xFFFFFFF0];
	_ =	sdelay $0x1  }
0x9f: {  	s11 =	sadd.s32 $0xFFFFFFE0, s31  }
0xa0: {  	s23 =	sadd.s32 $0x30, s11;
	v3 =	vpop (erf);
	v1 =	vmul.f32 $-9.999999770e-03, v1  }
0xa1: {  	p0 =	slt.u32 s23, $0x4E200;
	v4 =	vpop (erf)  }
0xa2: {  	s0 =	sadd.s32 $0x20, s11;
	v2 =	vmul.f32 $-9.999999770e-03, v2;
	v5 =	vpop (erf);
	v6 =	vmul.f32 $1.442695020e+00, v1;
	v1 =	vpsel !p0, $0x0, v3  }
0xa3: {  	p1 =	slt.u32 s0, $0x4E200;
	v4 =	vmul.f32 $1.442695020e+00, v4;
	[tilespmem:s28+$0x0] =	vst v1;
	v3 =	vpop (erf)  }
0xa4: {  	v7 =	vmul.f32 $1.442695020e+00, v2;
	v2 =	vpsel !p1, $0x0, v3;
	v3 =	vld [tilespmem:s26+$0x0]  }
0xa5: {  	(erf) = vpow2.f32 v4  }
0xa6: {  	v5 =	vmul.f32 $1.442695020e+00, v5;
	(erf) = vpow2.f32 v6;
	[tilespmem:s28+$0xFFFFFFF0] =	vst v2  }
0xa7: {  	(erf) = vpow2.f32 v7;
	v4 =	vld [tilespmem:s26+$0xFFFFFFF0]  }
0xa8: {  	s5 =	simm.s32 $0x0;
	s6 =	smov.u32 s28;
	s4 =	simm.s32 $0x20;
	(erf) = vpow2.f32 v5  }
0xa9: {  	s23 =	simm.s32 $0xCF70;
	s11 =	simm.s32 $0x40;
	s0 =	smov.u32 s26  }
.LBB2_7:
0xaa: {  	v5 =	vld [tilespmem:s23+$0x0];
	s7 =	smov.u32 s11;
	s11 =	sadd.s32 $0x20, s11  }
0xab: {  	v6 =	vld [tilespmem:s23+$0xFFFFFFF0];
	p0 =	slt.u32 s11, $0x60  }
0xac: {  	s8 =	sadd.s32 s5, s31;
	s5 =	smov.u32 s4;
	s4 =	smov.u32 s7;
	[tilespmem:v3+s20+$0x0] =	vst.idx.add.f32.msk $0xffff, v1  }
0xad: {  	s7 =	sadd.s32 $0x20, s8;
	s8 =	sadd.s32 $0x30, s8  }
0xae: {  	p1 =	slt.u32 s7, $0x4E200;
	p2 =	slt.u32 s8, $0x4E200;
	v1 =	vpop (erf)  }
0xaf: {  	s6 =	sadd.s32 $0x20, s6;
	v3 =	vmul.f32 $-9.999999770e-03, v5;
	v5 =	vpop (erf);
	v1 =	vpsel !p2, $0x0, v1;
	[tilespmem:v4+s20+$0x0] =	vst.idx.add.f32.msk $0xffff, v2  }
0xb0: {  	s0 =	sadd.s32 $0x20, s0;
	v2 =	vmul.f32 $-9.999999770e-03, v6;
	v4 =	vmul.f32 $1.442695020e+00, v5;
	v5 =	vpop (erf);
	[tilespmem:s6+$0x0] =	vst v1  }
0xb1: {  	v6 =	vmul.f32 $1.442695020e+00, v3;
	v5 =	vmul.f32 $1.442695020e+00, v5;
	v3 =	vld [tilespmem:s0+$0x0];
	v7 =	vpop (erf)  }
.Ltmp2:
0xb2: {  	v8 =	vmul.f32 $1.442695020e+00, v2;
	(erf) = vpow2.f32 v4;
	v2 =	vpsel !p1, $0x0, v7;
	(pc) =	sbr.rel @p0 .LBB2_7-.Ltmp2, $4  }
0xb3: {  	(erf) = vpow2.f32 v6;
	[tilespmem:s6+$0xFFFFFFF0] =	vst v2  }
0xb4: {  	(erf) = vpow2.f32 v8;
	v4 =	vld [tilespmem:s0+$0xFFFFFFF0]  }
0xb5: {  	(erf) = vpow2.f32 v5  }
0xb6: {  	s23 =	sadd.s32 $0x20, s23  }
0xb7: {  	_ =	sdelay $0x3  }
0xb8: {  	v5 =	vpop (erf)  }
0xb9: {  	v6 =	vpop (erf)  }
0xba: {  	v6 =	vmul.f32 $1.442695020e+00, v6;
	v7 =	vpop (erf)  }
0xbb: {  	v7 =	vmul.f32 $1.442695020e+00, v7  }
0xbc: {  	(erf) = vpow2.f32 v6  }
0xbd: {  	(erf) = vpow2.f32 v7;
	_ =	sdelay $0x3  }
0xbe: {  	s5 =	sadd.s32 s5, s31  }
0xbf: {  	s7 =	sadd.s32 $0x30, s5  }
0xc0: {  	s4 =	sadd.s32 s4, s31;
	s5 =	sadd.s32 $0x20, s5;
	p0 =	slt.u32 s7, $0x4E200  }
0xc1: {  	s8 =	sadd.s32 $0x20, s6;
	s11 =	sadd.s32 $0x30, s4;
	p1 =	slt.u32 s5, $0x4E200;
	v5 =	vpsel !p0, $0x0, v5;
	v6 =	vpop (erf)  }
0xc2: {  	s0 =	sadd.s32 $0x20, s0;
	s4 =	sadd.s32 $0x20, s4;
	p5 =	slt.u32 s11, $0x4E200;
	[tilespmem:s8+$0x0] =	vst v5;
	v6 =	vpsel !p1, $0x0, v6;
	v7 =	vpop (erf)  }
0xc3: {  	s23 =	sadd.s32 $0x20, s8;
	p6 =	slt.u32 s4, $0x4E200;
	v8 =	vld [tilespmem:s0+$0x0];
	[tilespmem:s8+$0xFFFFFFF0] =	vst v6;
	v7 =	vpsel !p5, $0x0, v7;
	v9 =	vpop (erf)  }
0xc4: {  	v10 =	vld [tilespmem:s0+$0xFFFFFFF0];
	s0 =	sadd.s32 $0x20, s0;
	[tilespmem:s23+$0x0] =	vst v7;
	v9 =	vpsel !p6, $0x0, v9  }
0xc5: {  	v11 =	vld [tilespmem:s0+$0x0];
	[tilespmem:s23+$0xFFFFFFF0] =	vst v9  }
0xc6: {  	v12 =	vld [tilespmem:s0+$0xFFFFFFF0];
	_ =	sdelay $0x2  }
0xc7: {  	[tilespmem:v3+s20+$0x0] =	vst.idx.add.f32.msk $0xffff, v1  }
0xc8: {  	[tilespmem:v4+s20+$0x0] =	vst.idx.add.f32.msk $0xffff, v2  }
0xc9: {  	[tilespmem:v8+s20+$0x0] =	vst.idx.add.f32.msk $0xffff, v5  }
0xca: {  	[tilespmem:v10+s20+$0x0] =	vst.idx.add.f32.msk $0xffff, v6  }
0xcb: {  	[tilespmem:v11+s20+$0x0] =	vst.idx.add.f32.msk $0xffff, v7  }
0xcc: {  	s5 =	sadd.s32 $0x100, s1;
	[tilespmem:v12+s20+$0x0] =	vst.idx.add.f32.msk $0xffff, v9  }
0xcd: {  	[tilespmem:s13], [sflag:$0x1] =	stream.indirect.gather [hbm4b:s2+s12], $0x40, s5, s12, $0xb8;
	[tilespmem:$0x11E10] =	vst v63  }
0xce: {  	s6 =	sadd.s32 $0x2880, s1  }
0xcf: {  	[tilespmem:s14], [sflag:$0x2] =	stream.indirect.gather [hbm4b:s2+s12], $0x40, s6, s12, $0xb8;
	[tilespmem:$0x11E10] =	vst v63  }
0xd0: {  	_ =	swait.ge [sflag:s21], $0x2000  }
0xd1: {  	[sflag:s21] =	ssyncset.done $0x0  }
0xd2: {  	[sflag:s21] =	ssyncadd.s32 $0xFFFFE000  }
0xd3: {  	_ =	swait.ge [sflag:s22], $0x2000  }
0xd4: {  	[sflag:s22] =	ssyncset.done $0x0  }
0xd5: {  	s7 =	simm.s32 $0xAF80;
	[sflag:s22] =	ssyncadd.s32 $0xFFFFE000  }
0xd6: {  	v3 =	vld [tilespmem:s7+$0xFFFFFFC0]  }
0xd7: {  	s8 =	simm.s32 $0x8F80;
	v5 =	vld [tilespmem:s7+$0x70]  }
0xd8: {  	v7 =	vld [tilespmem:s8+$0x70]  }
0xd9: {  	v1 =	vld [tilespmem:s7+$0x30]  }
0xda: {  	v2 =	vld [tilespmem:s7+$0x20]  }
0xdb: {  	v8 =	vld [tilespmem:s8+$0x30]  }
0xdc: {  	v9 =	vld [tilespmem:s8+$0x20]  }
0xdd: {  	v10 =	vld [tilespmem:s7+$0x10]  }
0xde: {  	v11 =	vld [tilespmem:s8+$0x10]  }
0xdf: {  	v12 =	vld [tilespmem:s8+$0xFFFFFFC0]  }
0xe0: {  	v13 =	vld [tilespmem:s7+$0x0]  }
0xe1: {  	v15 =	vld [tilespmem:s8+$0x0]  }
0xe2: {  	v21 =	vld [tilespmem:s7+$0xFFFFFFB0]  }
0xe3: {  	s11 =	simm.s32 $0x2;
	v22 =	vld [tilespmem:s8+$0xFFFFFFB0]  }
0xe4: {  	v14 =	vmov s11;
	s23 =	simm.s32 $0x1  }
0xe5: {  	v16 =	vmov s23;
	v17 =	vld [tilespmem:s8+$0xFFFFFF80];
	v8 =	vsub.bf16 v8, v1;
	v9 =	vsub.bf16 v9, v2  }
0xe6: {  	v19 =	vld [tilespmem:s8+$0x50];
	v1 =	vand.u32 $0xFFFFFFFE, v14;
	v10 =	vsub.bf16 v11, v10;
	v13 =	vsub.bf16 v15, v13  }
0xe7: {  	v20 =	vld [tilespmem:s8+$0x40];
	v2 =	vand.u32 $0xFFFFFFFD, v16;
	v3 =	vsub.bf16 v12, v3;
	v5 =	vsub.bf16 v7, v5  }
0xe8: {  	v14 =	vld [tilespmem:s7+$0x50];
	v22 =	vsub.bf16 v22, v21;
	v8 =	vand.u32 $0x7FFF7FFF, v8;
	v9 =	vand.u32 $0x7FFF7FFF, v9  }
0xe9: {  	v11 =	vld [tilespmem:s7+$0x40];
	v10 =	vand.u32 $0x7FFF7FFF, v10;
	v18 =	vunpack.i.u.bf16.f32 v9;
	v9 =	vunpack.i.l.bf16.f32 v9  }
0xea: {  	v13 =	vand.u32 $0x7FFF7FFF, v13;
	v16 =	vunpack.i.u.bf16.f32 v8;
	v9 =	vadd.f32 v9, v18;
	v18 =	vld [tilespmem:s7+$0xFFFFFF80]  }
0xeb: {  	v4 =	vld [tilespmem:s8+$0x60];
	v8 =	vunpack.i.l.bf16.f32 v8;
	v15 =	vunpack.i.u.bf16.f32 v10;
	v10 =	vunpack.i.l.bf16.f32 v10  }
0xec: {  	v6 =	vld [tilespmem:s7+$0x60];
	v12 =	vunpack.i.u.bf16.f32 v13;
	v13 =	vunpack.i.l.bf16.f32 v13;
	v10 =	vadd.f32 v10, v15  }
0xed: {  	v15 =	vld [tilespmem:s8+$0xFFFFFF90];
	v8 =	vadd.f32 v8, v16;
	v12 =	vadd.f32 v13, v12  }
0xee: {  	v3 =	vand.u32 $0x7FFF7FFF, v3;
	v13 =	vsub.bf16 v19, v14;
	v19 =	vld [tilespmem:s7+$0xFFFFFF90];
	v11 =	vsub.bf16 v20, v11  }
0xef: {  	v16 =	vld [tilespmem:s7+$0xFFFFFFD0];
	v14 =	vsub.bf16 v17, v18;
	v17 =	vunpack.i.u.bf16.f32 v3;
	v3 =	vunpack.i.l.bf16.f32 v3  }
0xf0: {  	v13 =	vand.u32 $0x7FFF7FFF, v13;
	v23 =	vand.u32 $0x7FFF7FFF, v11;
	v18 =	vld [tilespmem:s8+$0xFFFFFFD0];
	v3 =	vadd.f32 v3, v17  }
0xf1: {  	v11 =	vunpack.i.u.bf16.f32 v23;
	v17 =	vsub.bf16 v4, v6;
	v4 =	vadd.f32 v10, v12  }
0xf2: {  	v12 =	vunpack.i.u.bf16.f32 v13;
	v6 =	vadd.f32 v8, v9;
	v8 =	vunpack.i.l.bf16.f32 v13;
	v10 =	vld [tilespmem:s7+$0xFFFFFFE0]  }
0xf3: {  	v9 =	vand.u32 $0x7FFF7FFF, v14;
	v8 =	vadd.f32 v8, v12;
	v14 =	vld [tilespmem:s8+$0xFFFFFFE0];
	v12 =	vsub.bf16 v15, v19  }
0xf4: {  	v15 =	vld [tilespmem:s7+$0xFFFFFFA0];
	v20 =	vand.u32 $0x7FFF7FFF, v17;
	v13 =	vunpack.i.u.bf16.f32 v9;
	v17 =	vunpack.i.l.bf16.f32 v9  }
0xf5: {  	v19 =	vld [tilespmem:s8+$0xFFFFFFA0];
	v24 =	vunpack.i.u.bf16.f32 v20;
	v7 =	vand.u32 $0x7FFF7FFF, v12;
	v16 =	vsub.bf16 v18, v16  }
0xf6: {  	s1 =	simm.s32 $0x4;
	v9 =	vld [tilespmem:s8+$0xFFFFFFF0];
	v18 =	vunpack.i.l.bf16.f32 v23;
	v23 =	vunpack.i.l.bf16.f32 v20;
	v21 =	vunpack.i.u.bf16.f32 v7  }
0xf7: {  	s4 =	simm.s32 $0xB080;
	s0 =	simm.s32 $0x0;
	s5 =	simm.s32 $0x9080;
	v12 =	vld [tilespmem:s7+$0xFFFFFFF0];
	v20 =	vand.u32 $0x7FFF7FFF, v22;
	v22 =	vadd.f32 v23, v24;
	v16 =	vand.u32 $0x7FFF7FFF, v16  }
.LBB2_9:
0xf8: {  	v23 =	vld [tilespmem:s4+$0xFFFFFFC0];
	p0 =	slt.u32 s1, $0x7C;
	v24 =	vunpack.i.l.bf16.f32 v7;
	v10 =	vsub.bf16 v14, v10;
	v7 =	vand.u32 $0x7FFF7FFF, v5;
	s6 =	smov.u32 s1;
	s1 =	sadd.s32 $0x4, s1  }
0xf9: {  	v14 =	vunpack.i.u.bf16.f32 v20;
	v5 =	vld [tilespmem:s4+$0x70];
	v25 =	vunpack.i.u.bf16.f32 v7;
	v26 =	vunpack.i.l.bf16.f32 v7  }
0xfa: {  	v15 =	vsub.bf16 v19, v15;
	v19 =	vunpack.i.u.bf16.f32 v16;
	v7 =	vld [tilespmem:s5+$0x70];
	v10 =	vand.u32 $0x7FFF7FFF, v10  }
0xfb: {  	v13 =	vadd.f32 v17, v13;
	v25 =	vadd.f32 v26, v25;
	v27 =	vld [tilespmem:s4+$0x30];
	v17 =	vunpack.i.u.bf16.f32 v10  }
0xfc: {  	v11 =	vadd.f32 v18, v11;
	v16 =	vunpack.i.l.bf16.f32 v16;
	v10 =	vunpack.i.l.bf16.f32 v10;
	v26 =	vld [tilespmem:s5+$0x60]  }
0xfd: {  	v20 =	vunpack.i.l.bf16.f32 v20;
	v21 =	vadd.f32 v24, v21;
	v22 =	vadd.f32 v25, v22;
	v18 =	vld [tilespmem:s4+$0x20]  }
0xfe: {  	v14 =	vadd.f32 v20, v14;
	v8 =	vadd.f32 v8, v11;
	v15 =	vand.u32 $0x7FFF7FFF, v15;
	v24 =	vld [tilespmem:s4+$0x60]  }
0xff: {  	s7 =	sadd.s32 $0x2, s6;
	v20 =	vunpack.i.u.bf16.f32 v15;
	v10 =	vadd.f32 v10, v17;
	v9 =	vsub.bf16 v9, v12;
	v11 =	vld [tilespmem:s5+$0x30]  }
0x100: {  	v13 =	vadd.f32 v21, v13;
	v17 =	vmov s7;
	v15 =	vunpack.i.l.bf16.f32 v15;
	v12 =	vld [tilespmem:s5+$0x20]  }
0x101: {  	v16 =	vadd.f32 v16, v19;
	v15 =	vadd.f32 v15, v20;
	v9 =	vand.u32 $0x7FFF7FFF, v9;
	v21 =	vld [tilespmem:s4+$0x10]  }
0x102: {  	v4 =	vadd.f32 v6, v4;
	v20 =	vunpack.i.u.bf16.f32 v9;
	v9 =	vunpack.i.l.bf16.f32 v9;
	v19 =	vld [tilespmem:s5+$0x10]  }
0x103: {  	s7 =	sadd.s32 $0x1, s6;
	v3 =	vadd.f32 v16, v3;
	v17 =	vand.u32 $0xFFFFFFFE, v17;
	v8 =	vadd.f32 v22, v8;
	v6 =	vld [tilespmem:s5+$0xFFFFFFC0]  }
0x104: {  	v16 =	vmov s7;
	v14 =	vadd.f32 v14, v15;
	v22 =	vld [tilespmem:s4+$0x0];
	v11 =	vsub.bf16 v11, v27;
	(xrf2) =	vadd.scan.msk.f32 $0xffff, v4  }
0x105: {  	v15 =	vand.u32 $0xFFFFFFFD, v16;
	v9 =	vadd.f32 v9, v20;
	v4 =	vld [tilespmem:s5+$0x0];
	v12 =	vsub.bf16 v12, v18  }
0x106: {  	v13 =	vadd.f32 v14, v13;
	v14 =	vbroadcast v1, $0x0;
	v1 =	vmovc v17;
	v16 =	vld [tilespmem:s5+$0xFFFFFF80];
	v11 =	vand.u32 $0x7FFF7FFF, v11  }
0x107: {  	v17 =	vsub.bf16 v19, v21;
	v12 =	vand.u32 $0x7FFF7FFF, v12;
	v18 =	vunpack.i.u.bf16.f32 v11;
	v19 =	vld [tilespmem:s4+$0x50];
	(xrf2) =	vadd.scan.msk.f32 $0xffff, v8  }
0x108: {  	v9 =	vadd.f32 v9, v10;
	v8 =	vunpack.i.u.bf16.f32 v12;
	v12 =	vunpack.i.l.bf16.f32 v12;
	v20 =	vld [tilespmem:s4+$0x40]  }
0x109: {  	v11 =	vunpack.i.l.bf16.f32 v11;
	v10 =	vand.u32 $0x7FFF7FFF, v17;
	v8 =	vadd.f32 v12, v8;
	v12 =	vld [tilespmem:s5+$0x50]  }
0x10a: {  	s7 =	sadd.s32 $0x3, s0;
	v17 =	vld [tilespmem:s4+$0xFFFFFF80];
	v4 =	vsub.bf16 v4, v22;
	v21 =	vunpack.i.u.bf16.f32 v10;
	v10 =	vunpack.i.l.bf16.f32 v10;
	(xrf2) =	vadd.scan.msk.f32 $0xffff, v13  }
0x10b: {  	v3 =	vadd.f32 v9, v3;
	v9 =	vmov s7;
	v13 =	vadd.f32 v10, v21;
	v21 =	vld [tilespmem:s5+$0x40]  }
0x10c: {  	v11 =	vadd.f32 v11, v18;
	v10 =	vmov s0;
	s0 =	smov.u32 s6;
	v22 =	vld [tilespmem:s5+$0xFFFFFF90];
	v4 =	vand.u32 $0x7FFF7FFF, v4  }
0x10d: {  	v6 =	vsub.bf16 v6, v23;
	v18 =	vld [tilespmem:s4+$0xFFFFFFB0];
	v23 =	vunpack.i.u.bf16.f32 v4;
	v4 =	vunpack.i.l.bf16.f32 v4;
	(xrf2) =	vadd.scan.msk.f32 $0xffff, v3  }
0x10e: {  	v10 =	vand.u32 $0xFFFFFFFC, v10;
	v25 =	vld [tilespmem:s4+$0xFFFFFFD0];
	v4 =	vadd.f32 v4, v23;
	v3 =	vsub.bf16 v12, v19;
	v12, _, _ =	vpop (xrf2)  }
0x10f: {  	v6 =	vand.u32 $0x7FFF7FFF, v6;
	v19 =	vbroadcast v10, $0x0;
	v16 =	vsub.bf16 v16, v17;
	v17 =	vld [tilespmem:s4+$0xFFFFFF90];
	[tilespmem:v14+s19+$0x0] =	vst.idx.msk vm0, v12  }
0x110: {  	v10 =	vunpack.i.u.bf16.f32 v6;
	v6 =	vunpack.i.l.bf16.f32 v6;
	v12 =	vld [tilespmem:s5+$0xFFFFFFD0];
	v23 =	vand.u32 $0x7FFF7FFF, v3  }
0x111: {  	v24 =	vsub.bf16 v26, v24;
	v26 =	vbroadcast v2, $0x0;
	v3 =	vadd.f32 v6, v10;
	v27 =	vld [tilespmem:s5+$0xFFFFFFB0];
	v2, _, _ =	vpop (xrf2)  }
0x112: {  	v4 =	vadd.f32 v13, v4;
	v13 =	vsub.bf16 v21, v20;
	v20 =	vunpack.i.u.bf16.f32 v23;
	v10 =	vld [tilespmem:s4+$0xFFFFFFE0];
	[tilespmem:v9+s19+$0x0] =	vst.idx.msk vm0, v2  }
0x113: {  	v6 =	vadd.f32 v11, v8;
	v21 =	vand.u32 $0x7FFF7FFF, v24;
	v8 =	vunpack.i.l.bf16.f32 v23;
	v2 =	vmovc v15;
	v14 =	vld [tilespmem:s5+$0xFFFFFFE0]  }
0x114: {  	v9 =	vand.u32 $0x7FFF7FFF, v16;
	v23 =	vand.u32 $0x7FFF7FFF, v13;
	v8 =	vadd.f32 v8, v20;
	v11, _, _ =	vpop (xrf2)  }
.Ltmp3:
0x115: {  	v20 =	vsub.bf16 v22, v17;
	v22 =	vunpack.i.u.bf16.f32 v21;
	v15 =	vld [tilespmem:s4+$0xFFFFFFA0];
	v25 =	vsub.bf16 v12, v25;
	[tilespmem:v19+s19+$0x0] =	vst.idx.msk vm0, v11;
	(pc) =	sbr.rel @p0 .LBB2_9-.Ltmp3, $4  }
0x116: {  	v5 =	vsub.bf16 v7, v5;
	v13 =	vunpack.i.u.bf16.f32 v9;
	v11 =	vunpack.i.u.bf16.f32 v23;
	v19 =	vld [tilespmem:s5+$0xFFFFFFA0]  }
0x117: {  	v17 =	vunpack.i.l.bf16.f32 v9;
	v24 =	vsub.bf16 v27, v18;
	v16 =	vand.u32 $0x7FFF7FFF, v25;
	v12, _, _ =	vpop (xrf2)  }
0x118: {  	v7 =	vand.u32 $0x7FFF7FFF, v20;
	v18 =	vunpack.i.l.bf16.f32 v23;
	v23 =	vunpack.i.l.bf16.f32 v21;
	v9 =	vld [tilespmem:s5+$0xFFFFFFF0];
	[tilespmem:v26+s19+$0x0] =	vst.idx.msk vm0, v12  }
0x119: {  	s6 =	simm.s32 $0xCF10;
	v21 =	vunpack.i.u.bf16.f32 v7;
	v22 =	vadd.f32 v23, v22;
	v20 =	vand.u32 $0x7FFF7FFF, v24;
	s5 =	sadd.s32 $0x100, s5;
	v12 =	vld [tilespmem:s4+$0xFFFFFFF0];
	s4 =	sadd.s32 $0x100, s4  }
0x11a: {  	v7 =	vunpack.i.l.bf16.f32 v7  }
0x11b: {  	v10 =	vsub.bf16 v14, v10;
	v5 =	vand.u32 $0x7FFF7FFF, v5;
	v54 =	vunpack.i.u.bf16.f32 v20  }
0x11c: {  	v55 =	vunpack.i.u.bf16.f32 v16;
	v13 =	vadd.f32 v17, v13;
	v57 =	vunpack.i.l.bf16.f32 v16  }
0x11d: {  	v11 =	vadd.f32 v18, v11;
	v58 =	vunpack.i.l.bf16.f32 v20;
	v4 =	vadd.f32 v6, v4  }
0x11e: {  	v23 =	vunpack.i.u.bf16.f32 v5;
	v15 =	vsub.bf16 v19, v15;
	v7 =	vadd.f32 v7, v21  }
0x11f: {  	v5 =	vunpack.i.l.bf16.f32 v5;
	v14 =	vadd.f32 v58, v54;
	v61 =	vadd.f32 v57, v55  }
0x120: {  	v10 =	vand.u32 $0x7FFF7FFF, v10;
	v5 =	vadd.f32 v5, v23;
	v8 =	vadd.f32 v8, v11  }
0x121: {  	v56 =	vunpack.i.u.bf16.f32 v10;
	v10 =	vunpack.i.l.bf16.f32 v10;
	v9 =	vsub.bf16 v9, v12  }
0x122: {  	v15 =	vand.u32 $0x7FFF7FFF, v15;
	v7 =	vadd.f32 v7, v13;
	v5 =	vadd.f32 v5, v22  }
0x123: {  	v59 =	vunpack.i.u.bf16.f32 v15;
	v60 =	vunpack.i.l.bf16.f32 v15;
	v9 =	vand.u32 $0x7FFF7FFF, v9  }
0x124: {  	v11 =	vadd.f32 v60, v59;
	v62 =	vunpack.i.u.bf16.f32 v9;
	v9 =	vunpack.i.l.bf16.f32 v9  }
0x125: {  	v10 =	vadd.f32 v10, v56;
	v6 =	vadd.f32 v9, v62  }
0x126: {  	v3 =	vadd.f32 v61, v3;
	v63 =	vadd.f32 v14, v11  }
0x127: {  	v5 =	vadd.f32 v5, v8;
	v6 =	vadd.f32 v6, v10  }
0x128: {  	(xrf2) =	vadd.scan.msk.f32 $0xffff, v4;
	v4 =	vadd.f32 v63, v7  }
0x129: {  	(xrf2) =	vadd.scan.msk.f32 $0xffff, v5;
	v3 =	vadd.f32 v6, v3  }
0x12a: {  	(xrf2) =	vadd.scan.msk.f32 $0xffff, v4  }
0x12b: {  	(xrf2) =	vadd.scan.msk.f32 $0xffff, v3;
	_ =	sdelay $0x1  }
0x12c: {  	v1 =	vbroadcast v1, $0x0;
	v3 =	vmov s0  }
0x12d: {  	s7 =	sadd.s32 $0x3, s0;
	v3 =	vand.u32 $0xFFFFFFFC, v3  }
0x12e: {  	v4 =	vmov s7;
	v3 =	vbroadcast v3, $0x0  }
0x12f: {  	v2 =	vbroadcast v2, $0x0;
	_ =	sdelay $0x1  }
0x130: {  	v5, _, _ =	vpop (xrf2)  }
0x131: {  	[tilespmem:v1+s19+$0x0] =	vst.idx.msk vm0, v5;
	v1, _, _ =	vpop (xrf2)  }
0x132: {  	[tilespmem:v4+s19+$0x0] =	vst.idx.msk vm0, v1;
	v1, _, _ =	vpop (xrf2)  }
0x133: {  	[tilespmem:v3+s19+$0x0] =	vst.idx.msk vm0, v1;
	v1, _, _ =	vpop (xrf2)  }
0x134: {  	[tilespmem:v2+s19+$0x0] =	vst.idx.msk vm0, v1  }
0x135: {  	v1 =	vld [tilespmem:s6+$0x0];
	_ =	sdelay $0x4  }
0x136: {  	v2 =	vld [tilespmem:s6+$0xFFFFFFF0];
	v1 =	vmul.f32 $-9.999999770e-03, v1;
	_ =	sdelay $0x1  }
0x137: {  	v1 =	vmul.f32 $1.442695020e+00, v1;
	_ =	sdelay $0x1  }
0x138: {  	(erf) = vpow2.f32 v1  }
0x139: {  	v2 =	vmul.f32 $-9.999999770e-03, v2;
	_ =	sdelay $0x1  }
0x13a: {  	v1 =	vmul.f32 $1.442695020e+00, v2;
	_ =	sdelay $0x1  }
0x13b: {  	s8 =	simm.s32 $0xCF30;
	(erf) = vpow2.f32 v1  }
0x13c: {  	v1 =	vld [tilespmem:s8+$0x0]  }
0x13d: {  	v2 =	vld [tilespmem:s8+$0xFFFFFFF0];
	_ =	sdelay $0x1  }
0x13e: {  	v3 =	vpop (erf)  }
0x13f: {  	v3 =	vmul.f32 $1.442695020e+00, v3  }
0x140: {  	v1 =	vmul.f32 $-9.999999770e-03, v1  }
0x141: {  	v2 =	vmul.f32 $-9.999999770e-03, v2  }
0x142: {  	v1 =	vmul.f32 $1.442695020e+00, v1  }
0x143: {  	v2 =	vmul.f32 $1.442695020e+00, v2;
	(erf) = vpow2.f32 v3;
	v3 =	vpop (erf)  }
0x144: {  	(erf) = vpow2.f32 v1;
	v1 =	vmul.f32 $1.442695020e+00, v3  }
0x145: {  	(erf) = vpow2.f32 v2  }
0x146: {  	s11 =	simm.s32 $0xCF50;
	(erf) = vpow2.f32 v1  }
0x147: {  	v1 =	vld [tilespmem:s11+$0x0];
	_ =	sdelay $0x1  }
0x148: {  	v2 =	vld [tilespmem:s11+$0xFFFFFFF0];
	_ =	sdelay $0x1  }
0x149: {  	s23 =	sadd.s32 $0xFFFFFFE0, s31  }
0x14a: {  	s1 =	sadd.s32 $0xB0, s23;
	v3 =	vpop (erf);
	v1 =	vmul.f32 $-9.999999770e-03, v1  }
0x14b: {  	p0 =	slt.u32 s1, $0x4E200;
	v4 =	vpop (erf)  }
0x14c: {  	s0 =	sadd.s32 $0xA0, s23;
	v2 =	vmul.f32 $-9.999999770e-03, v2;
	v5 =	vpop (erf);
	v6 =	vmul.f32 $1.442695020e+00, v1;
	v1 =	vpsel !p0, $0x0, v3  }
0x14d: {  	p1 =	slt.u32 s0, $0x4E200;
	v4 =	vmul.f32 $1.442695020e+00, v4;
	[tilespmem:s30+$0x0] =	vst v1;
	v3 =	vpop (erf)  }
0x14e: {  	v7 =	vmul.f32 $1.442695020e+00, v2;
	v2 =	vpsel !p1, $0x0, v3;
	v3 =	vld [tilespmem:s29+$0x0]  }
0x14f: {  	(erf) = vpow2.f32 v4  }
0x150: {  	v5 =	vmul.f32 $1.442695020e+00, v5;
	(erf) = vpow2.f32 v6;
	[tilespmem:s30+$0xFFFFFFF0] =	vst v2  }
0x151: {  	(erf) = vpow2.f32 v7;
	v4 =	vld [tilespmem:s29+$0xFFFFFFF0]  }
0x152: {  	s4 =	simm.s32 $0x0;
	s5 =	smov.u32 s30;
	s1 =	simm.s32 $0x20;
	(erf) = vpow2.f32 v5  }
0x153: {  	s0 =	smov.u32 s29;
	s6 =	simm.s32 $0x40;
	s11 =	simm.s32 $0xCF70  }
.LBB2_11:
0x154: {  	v5 =	vld [tilespmem:s11+$0x0];
	s7 =	smov.u32 s6;
	s6 =	sadd.s32 $0x20, s6  }
0x155: {  	v6 =	vld [tilespmem:s11+$0xFFFFFFF0];
	p0 =	slt.u32 s6, $0x60  }
0x156: {  	s8 =	sadd.s32 s4, s31;
	s4 =	smov.u32 s1;
	s1 =	smov.u32 s7;
	[tilespmem:v3+s20+$0x0] =	vst.idx.add.f32.msk $0xffff, v1  }
0x157: {  	s7 =	sadd.s32 $0xA0, s8;
	s8 =	sadd.s32 $0xB0, s8  }
0x158: {  	p1 =	slt.u32 s7, $0x4E200;
	p2 =	slt.u32 s8, $0x4E200;
	v1 =	vpop (erf)  }
0x159: {  	s5 =	sadd.s32 $0x20, s5;
	v3 =	vmul.f32 $-9.999999770e-03, v5;
	v5 =	vpop (erf);
	v1 =	vpsel !p2, $0x0, v1;
	[tilespmem:v4+s20+$0x0] =	vst.idx.add.f32.msk $0xffff, v2  }
0x15a: {  	s0 =	sadd.s32 $0x20, s0;
	v2 =	vmul.f32 $-9.999999770e-03, v6;
	v4 =	vmul.f32 $1.442695020e+00, v5;
	v5 =	vpop (erf);
	[tilespmem:s5+$0x0] =	vst v1  }
0x15b: {  	v6 =	vmul.f32 $1.442695020e+00, v3;
	v5 =	vmul.f32 $1.442695020e+00, v5;
	v3 =	vld [tilespmem:s0+$0x0];
	v7 =	vpop (erf)  }
.Ltmp4:
0x15c: {  	v8 =	vmul.f32 $1.442695020e+00, v2;
	(erf) = vpow2.f32 v4;
	v2 =	vpsel !p1, $0x0, v7;
	(pc) =	sbr.rel @p0 .LBB2_11-.Ltmp4, $4  }
0x15d: {  	(erf) = vpow2.f32 v6;
	[tilespmem:s5+$0xFFFFFFF0] =	vst v2  }
0x15e: {  	(erf) = vpow2.f32 v8;
	v4 =	vld [tilespmem:s0+$0xFFFFFFF0]  }
0x15f: {  	(erf) = vpow2.f32 v5  }
0x160: {  	s11 =	sadd.s32 $0x20, s11  }
0x161: {  	_ =	sdelay $0x3  }
0x162: {  	v5 =	vpop (erf)  }
0x163: {  	v6 =	vpop (erf)  }
0x164: {  	v6 =	vmul.f32 $1.442695020e+00, v6;
	v7 =	vpop (erf)  }
0x165: {  	v7 =	vmul.f32 $1.442695020e+00, v7  }
0x166: {  	(erf) = vpow2.f32 v6  }
0x167: {  	(erf) = vpow2.f32 v7;
	_ =	sdelay $0x3  }
0x168: {  	s4 =	sadd.s32 s4, s31  }
0x169: {  	s6 =	sadd.s32 $0xB0, s4  }
0x16a: {  	s1 =	sadd.s32 s1, s31;
	s4 =	sadd.s32 $0xA0, s4;
	p0 =	slt.u32 s6, $0x4E200  }
0x16b: {  	s8 =	sadd.s32 $0x20, s5;
	s11 =	sadd.s32 $0xB0, s1;
	p1 =	slt.u32 s4, $0x4E200;
	v5 =	vpsel !p0, $0x0, v5;
	v62 =	vpop (erf)  }
0x16c: {  	s0 =	sadd.s32 $0x20, s0;
	s1 =	sadd.s32 $0xA0, s1;
	p5 =	slt.u32 s11, $0x4E200;
	[tilespmem:s8+$0x0] =	vst v5;
	v6 =	vpsel !p1, $0x0, v62;
	v63 =	vpop (erf)  }
0x16d: {  	s23 =	sadd.s32 $0x20, s8;
	p6 =	slt.u32 s1, $0x4E200;
	v8 =	vld [tilespmem:s0+$0x0];
	[tilespmem:s8+$0xFFFFFFF0] =	vst v6;
	v7 =	vpsel !p5, $0x0, v63;
	v9 =	vpop (erf)  }
0x16e: {  	v10 =	vld [tilespmem:s0+$0xFFFFFFF0];
	s0 =	sadd.s32 $0x20, s0;
	[tilespmem:s23+$0x0] =	vst v7;
	v9 =	vpsel !p6, $0x0, v9  }
0x16f: {  	v11 =	vld [tilespmem:s0+$0x0];
	[tilespmem:s23+$0xFFFFFFF0] =	vst v9  }
0x170: {  	v12 =	vld [tilespmem:s0+$0xFFFFFFF0];
	_ =	sdelay $0x1  }
0x171: {  	s25 =	sadd.s32 $0x1, s25  }
0x172: {  	[tilespmem:v3+s20+$0x0] =	vst.idx.add.f32.msk $0xffff, v1;
	p0 =	sne.s32 s25, $0x27  }
.Ltmp5:
0x173: {  	[tilespmem:v4+s20+$0x0] =	vst.idx.add.f32.msk $0xffff, v2;
	(pc) =	sbr.rel @p0 .LBB2_4-.Ltmp5, $4  }
0x174: {  	[tilespmem:v8+s20+$0x0] =	vst.idx.add.f32.msk $0xffff, v5  }
0x175: {  	[tilespmem:v10+s20+$0x0] =	vst.idx.add.f32.msk $0xffff, v6  }
0x176: {  	s26 =	sadd.s32 $0x100, s26;
	s28 =	sadd.s32 $0x100, s28;
	[tilespmem:v11+s20+$0x0] =	vst.idx.add.f32.msk $0xffff, v7  }
0x177: {  	s31 =	sadd.s32 $0x100, s31;
	s29 =	sadd.s32 $0x100, s29;
	s30 =	sadd.s32 $0x100, s30;
	[tilespmem:v12+s20+$0x0] =	vst.idx.add.f32.msk $0xffff, v9  }
0x178: {  	_ =	swait.ge [sflag:s17], $0x2000  }
0x179: {  	[sflag:s17] =	ssyncset.done $0x0  }
0x17a: {  	[sflag:s17] =	ssyncadd.s32 $0xFFFFE000  }
0x17b: {  	_ =	swait.ge [sflag:s18], $0x2000  }
0x17c: {  	[sflag:s18] =	ssyncset.done $0x0  }
0x17d: {  	s4 =	simm.s32 $0x6F80;
	[sflag:s18] =	ssyncadd.s32 $0xFFFFE000  }
0x17e: {  	v3 =	vld [tilespmem:s4+$0xFFFFFFC0]  }
0x17f: {  	v6 =	vld [tilespmem:s4+$0x70]  }
0x180: {  	v1 =	vld [tilespmem:s4+$0x30]  }
0x181: {  	s1 =	simm.s32 $0x4F80;
	v2 =	vld [tilespmem:s4+$0x20]  }
0x182: {  	v7 =	vld [tilespmem:s1+$0x30]  }
0x183: {  	v8 =	vld [tilespmem:s1+$0x20]  }
0x184: {  	v9 =	vld [tilespmem:s4+$0x10]  }
0x185: {  	v10 =	vld [tilespmem:s1+$0x10]  }
0x186: {  	v11 =	vld [tilespmem:s1+$0xFFFFFFC0]  }
0x187: {  	v12 =	vld [tilespmem:s4+$0x0]  }
0x188: {  	v13 =	vld [tilespmem:s1+$0x0]  }
0x189: {  	v15 =	vld [tilespmem:s1+$0xFFFFFF80]  }
0x18a: {  	v19 =	vld [tilespmem:s4+$0xFFFFFF80]  }
0x18b: {  	s0 =	simm.s32 $0x2;
	v22 =	vld [tilespmem:s1+$0x70]  }
0x18c: {  	s31 =	simm.s32 $0x1;
	v14 =	vmov s0  }
0x18d: {  	v16 =	vmov s31;
	v4 =	vld [tilespmem:s1+$0x60];
	v7 =	vsub.bf16 v7, v1;
	v8 =	vsub.bf16 v8, v2  }
0x18e: {  	v5 =	vld [tilespmem:s4+$0x60];
	v1 =	vand.u32 $0xFFFFFFFE, v14;
	v9 =	vsub.bf16 v10, v9;
	v12 =	vsub.bf16 v13, v12  }
0x18f: {  	v17 =	vld [tilespmem:s4+$0x50];
	v2 =	vand.u32 $0xFFFFFFFD, v16;
	v3 =	vsub.bf16 v11, v3;
	v15 =	vsub.bf16 v15, v19  }
0x190: {  	v20 =	vld [tilespmem:s1+$0xFFFFFF90];
	v6 =	vsub.bf16 v22, v6;
	v7 =	vand.u32 $0x7FFF7FFF, v7;
	v8 =	vand.u32 $0x7FFF7FFF, v8  }
0x191: {  	v10 =	vld [tilespmem:s1+$0x50];
	v9 =	vand.u32 $0x7FFF7FFF, v9;
	v12 =	vand.u32 $0x7FFF7FFF, v12;
	v16 =	vunpack.i.u.bf16.f32 v7  }
0x192: {  	v14 =	vld [tilespmem:s4+$0x40];
	v18 =	vunpack.i.u.bf16.f32 v8;
	v8 =	vunpack.i.l.bf16.f32 v8;
	v7 =	vunpack.i.l.bf16.f32 v7  }
0x193: {  	v13 =	vld [tilespmem:s1+$0x40];
	v11 =	vunpack.i.u.bf16.f32 v12;
	v12 =	vunpack.i.l.bf16.f32 v12;
	v8 =	vadd.f32 v8, v18  }
0x194: {  	v19 =	vld [tilespmem:s1+$0xFFFFFFD0];
	v18 =	vunpack.i.u.bf16.f32 v9;
	v9 =	vunpack.i.l.bf16.f32 v9;
	v7 =	vadd.f32 v7, v16  }
0x195: {  	v3 =	vand.u32 $0x7FFF7FFF, v3;
	v16 =	vld [tilespmem:s4+$0xFFFFFFD0];
	v11 =	vadd.f32 v12, v11;
	v9 =	vadd.f32 v9, v18  }
0x196: {  	v12 =	vld [tilespmem:s4+$0xFFFFFF90];
	v10 =	vsub.bf16 v10, v17;
	v17 =	vunpack.i.u.bf16.f32 v3;
	v3 =	vunpack.i.l.bf16.f32 v3  }
0x197: {  	v21 =	vld [tilespmem:s1+$0xFFFFFFB0];
	v3 =	vadd.f32 v3, v17;
	v17 =	vsub.bf16 v4, v5  }
0x198: {  	v18 =	vld [tilespmem:s4+$0xFFFFFFB0];
	v5 =	vadd.f32 v7, v8;
	v10 =	vand.u32 $0x7FFF7FFF, v10;
	v4 =	vadd.f32 v9, v11  }
0x199: {  	v9 =	vsub.bf16 v13, v14;
	v11 =	vunpack.i.u.bf16.f32 v10;
	v7 =	vunpack.i.l.bf16.f32 v10  }
0x19a: {  	v14 =	vld [tilespmem:s1+$0xFFFFFFE0];
	v13 =	vand.u32 $0x7FFF7FFF, v17;
	v17 =	vand.u32 $0x7FFF7FFF, v15;
	v8 =	vadd.f32 v7, v11  }
0x19b: {  	v10 =	vld [tilespmem:s4+$0xFFFFFFE0];
	v23 =	vand.u32 $0x7FFF7FFF, v9;
	v7 =	vsub.bf16 v20, v12;
	v9 =	vsub.bf16 v19, v16  }
0x19c: {  	v15 =	vld [tilespmem:s4+$0xFFFFFFA0];
	v24 =	vunpack.i.u.bf16.f32 v13;
	v12 =	vunpack.i.u.bf16.f32 v17;
	v17 =	vunpack.i.l.bf16.f32 v17  }
0x19d: {  	v22 =	vunpack.i.l.bf16.f32 v13;
	v11 =	vunpack.i.u.bf16.f32 v23;
	v19 =	vsub.bf16 v21, v18;
	v18 =	vld [tilespmem:s1+$0xFFFFFFA0]  }
0x19e: {  	s23 =	simm.s32 $0x4;
	s5 =	simm.s32 $0x5080;
	s25 =	simm.s32 $0xF690;
	v13 =	vld [tilespmem:s4+$0xFFFFFFF0];
	v20 =	vunpack.i.l.bf16.f32 v23;
	v22 =	vadd.f32 v22, v24;
	v7 =	vand.u32 $0x7FFF7FFF, v7  }
0x19f: {  	s0 =	simm.s32 $0x0;
	s4 =	simm.s32 $0x7080;
	v16 =	vand.u32 $0x7FFF7FFF, v9;
	v9 =	vld [tilespmem:s1+$0xFFFFFFF0];
	s1 =	simm.s32 $0x4E90;
	v19 =	vand.u32 $0x7FFF7FFF, v19;
	v21 =	vunpack.i.u.bf16.f32 v7  }
.LBB2_14:
0x1a0: {  	v23 =	vld [tilespmem:s4+$0xFFFFFFC0];
	p0 =	slt.u32 s23, $0x7C;
	v24 =	vunpack.i.l.bf16.f32 v7;
	v10 =	vsub.bf16 v14, v10;
	v7 =	vand.u32 $0x7FFF7FFF, v6;
	s6 =	smov.u32 s23;
	s23 =	sadd.s32 $0x4, s23  }
0x1a1: {  	v14 =	vunpack.i.u.bf16.f32 v19;
	v6 =	vld [tilespmem:s4+$0x70];
	v25 =	vunpack.i.u.bf16.f32 v7;
	v26 =	vunpack.i.l.bf16.f32 v7  }
0x1a2: {  	v15 =	vsub.bf16 v18, v15;
	v18 =	vunpack.i.u.bf16.f32 v16;
	v7 =	vld [tilespmem:s5+$0x70];
	v10 =	vand.u32 $0x7FFF7FFF, v10  }
0x1a3: {  	v12 =	vadd.f32 v17, v12;
	v25 =	vadd.f32 v26, v25;
	v27 =	vld [tilespmem:s4+$0x30];
	v17 =	vunpack.i.u.bf16.f32 v10  }
0x1a4: {  	v11 =	vadd.f32 v20, v11;
	v16 =	vunpack.i.l.bf16.f32 v16;
	v10 =	vunpack.i.l.bf16.f32 v10;
	v26 =	vld [tilespmem:s5+$0x60]  }
0x1a5: {  	v19 =	vunpack.i.l.bf16.f32 v19;
	v21 =	vadd.f32 v24, v21;
	v22 =	vadd.f32 v25, v22;
	v20 =	vld [tilespmem:s4+$0x20]  }
0x1a6: {  	v14 =	vadd.f32 v19, v14;
	v8 =	vadd.f32 v8, v11;
	v15 =	vand.u32 $0x7FFF7FFF, v15;
	v24 =	vld [tilespmem:s4+$0x60]  }
0x1a7: {  	s7 =	sadd.s32 $0x2, s6;
	v19 =	vunpack.i.u.bf16.f32 v15;
	v10 =	vadd.f32 v10, v17;
	v9 =	vsub.bf16 v9, v13;
	v11 =	vld [tilespmem:s5+$0x30]  }
0x1a8: {  	v12 =	vadd.f32 v21, v12;
	v17 =	vmov s7;
	v15 =	vunpack.i.l.bf16.f32 v15;
	v13 =	vld [tilespmem:s5+$0x20]  }
0x1a9: {  	v16 =	vadd.f32 v16, v18;
	v15 =	vadd.f32 v15, v19;
	v9 =	vand.u32 $0x7FFF7FFF, v9;
	v21 =	vld [tilespmem:s4+$0x10]  }
0x1aa: {  	v4 =	vadd.f32 v5, v4;
	v19 =	vunpack.i.u.bf16.f32 v9;
	v9 =	vunpack.i.l.bf16.f32 v9;
	v18 =	vld [tilespmem:s5+$0x10]  }
0x1ab: {  	s7 =	sadd.s32 $0x1, s6;
	v3 =	vadd.f32 v16, v3;
	v17 =	vand.u32 $0xFFFFFFFE, v17;
	v8 =	vadd.f32 v22, v8;
	v5 =	vld [tilespmem:s5+$0xFFFFFFC0]  }
0x1ac: {  	v16 =	vmov s7;
	v14 =	vadd.f32 v14, v15;
	v22 =	vld [tilespmem:s4+$0x0];
	v11 =	vsub.bf16 v11, v27;
	(xrf2) =	vadd.scan.msk.f32 $0xffff, v4  }
0x1ad: {  	v15 =	vand.u32 $0xFFFFFFFD, v16;
	v9 =	vadd.f32 v9, v19;
	v4 =	vld [tilespmem:s5+$0x0];
	v13 =	vsub.bf16 v13, v20  }
0x1ae: {  	v12 =	vadd.f32 v14, v12;
	v14 =	vbroadcast v1, $0x0;
	v1 =	vmovc v17;
	v16 =	vld [tilespmem:s5+$0xFFFFFF80];
	v11 =	vand.u32 $0x7FFF7FFF, v11  }
0x1af: {  	v17 =	vsub.bf16 v18, v21;
	v13 =	vand.u32 $0x7FFF7FFF, v13;
	v18 =	vunpack.i.u.bf16.f32 v11;
	v19 =	vld [tilespmem:s4+$0x50];
	(xrf2) =	vadd.scan.msk.f32 $0xffff, v8  }
0x1b0: {  	v9 =	vadd.f32 v9, v10;
	v8 =	vunpack.i.u.bf16.f32 v13;
	v13 =	vunpack.i.l.bf16.f32 v13;
	v20 =	vld [tilespmem:s4+$0x40]  }
0x1b1: {  	v11 =	vunpack.i.l.bf16.f32 v11;
	v10 =	vand.u32 $0x7FFF7FFF, v17;
	v8 =	vadd.f32 v13, v8;
	v13 =	vld [tilespmem:s5+$0x50]  }
0x1b2: {  	s7 =	sadd.s32 $0x3, s0;
	v17 =	vld [tilespmem:s4+$0xFFFFFF80];
	v4 =	vsub.bf16 v4, v22;
	v21 =	vunpack.i.u.bf16.f32 v10;
	v10 =	vunpack.i.l.bf16.f32 v10;
	(xrf2) =	vadd.scan.msk.f32 $0xffff, v12  }
0x1b3: {  	v3 =	vadd.f32 v9, v3;
	v9 =	vmov s7;
	v12 =	vadd.f32 v10, v21;
	v21 =	vld [tilespmem:s5+$0x40]  }
0x1b4: {  	v11 =	vadd.f32 v11, v18;
	v10 =	vmov s0;
	s0 =	smov.u32 s6;
	v22 =	vld [tilespmem:s5+$0xFFFFFF90];
	v4 =	vand.u32 $0x7FFF7FFF, v4  }
0x1b5: {  	v5 =	vsub.bf16 v5, v23;
	v25 =	vld [tilespmem:s4+$0xFFFFFFB0];
	v18 =	vunpack.i.u.bf16.f32 v4;
	v4 =	vunpack.i.l.bf16.f32 v4;
	(xrf2) =	vadd.scan.msk.f32 $0xffff, v3  }
0x1b6: {  	v10 =	vand.u32 $0xFFFFFFFC, v10;
	v23 =	vld [tilespmem:s4+$0xFFFFFFD0];
	v4 =	vadd.f32 v4, v18;
	v3 =	vsub.bf16 v13, v19;
	v13, _, _ =	vpop (xrf2)  }
0x1b7: {  	v5 =	vand.u32 $0x7FFF7FFF, v5;
	v18 =	vbroadcast v10, $0x0;
	v16 =	vsub.bf16 v16, v17;
	v17 =	vld [tilespmem:s4+$0xFFFFFF90];
	[tilespmem:v14+s19+$0x0] =	vst.idx.msk vm0, v13  }
0x1b8: {  	v10 =	vunpack.i.u.bf16.f32 v5;
	v5 =	vunpack.i.l.bf16.f32 v5;
	v13 =	vld [tilespmem:s5+$0xFFFFFFD0];
	v19 =	vand.u32 $0x7FFF7FFF, v3  }
0x1b9: {  	v24 =	vsub.bf16 v26, v24;
	v26 =	vbroadcast v2, $0x0;
	v3 =	vadd.f32 v5, v10;
	v27 =	vld [tilespmem:s5+$0xFFFFFFB0];
	v2, _, _ =	vpop (xrf2)  }
0x1ba: {  	v4 =	vadd.f32 v12, v4;
	v12 =	vsub.bf16 v21, v20;
	v20 =	vunpack.i.u.bf16.f32 v19;
	v10 =	vld [tilespmem:s4+$0xFFFFFFE0];
	[tilespmem:v9+s19+$0x0] =	vst.idx.msk vm0, v2  }
0x1bb: {  	v5 =	vadd.f32 v11, v8;
	v8 =	vunpack.i.l.bf16.f32 v19;
	v19 =	vand.u32 $0x7FFF7FFF, v24;
	v2 =	vmovc v15;
	v14 =	vld [tilespmem:s5+$0xFFFFFFE0]  }
0x1bc: {  	v9 =	vand.u32 $0x7FFF7FFF, v16;
	v21 =	vand.u32 $0x7FFF7FFF, v12;
	v8 =	vadd.f32 v8, v20;
	v11, _, _ =	vpop (xrf2)  }
.Ltmp6:
0x1bd: {  	v20 =	vsub.bf16 v22, v17;
	v22 =	vunpack.i.u.bf16.f32 v19;
	v15 =	vld [tilespmem:s4+$0xFFFFFFA0];
	v24 =	vsub.bf16 v13, v23;
	[tilespmem:v18+s19+$0x0] =	vst.idx.msk vm0, v11;
	(pc) =	sbr.rel @p0 .LBB2_14-.Ltmp6, $4  }
0x1be: {  	v6 =	vsub.bf16 v7, v6;
	v12 =	vunpack.i.u.bf16.f32 v9;
	v11 =	vunpack.i.u.bf16.f32 v21;
	v18 =	vld [tilespmem:s5+$0xFFFFFFA0]  }
0x1bf: {  	v17 =	vunpack.i.l.bf16.f32 v9;
	v23 =	vsub.bf16 v27, v25;
	v16 =	vand.u32 $0x7FFF7FFF, v24;
	v13, _, _ =	vpop (xrf2)  }
0x1c0: {  	s6 =	simm.s32 $0xCF10;
	v7 =	vand.u32 $0x7FFF7FFF, v20;
	v20 =	vunpack.i.l.bf16.f32 v21;
	v24 =	vunpack.i.l.bf16.f32 v19;
	v9 =	vld [tilespmem:s5+$0xFFFFFFF0];
	[tilespmem:v26+s19+$0x0] =	vst.idx.msk vm0, v13  }
0x1c1: {  	v21 =	vunpack.i.u.bf16.f32 v7;
	v19 =	vand.u32 $0x7FFF7FFF, v23;
	v22 =	vadd.f32 v24, v22;
	s5 =	sadd.s32 $0x100, s5;
	v13 =	vld [tilespmem:s4+$0xFFFFFFF0];
	s4 =	sadd.s32 $0x100, s4  }
0x1c2: {  	v7 =	vunpack.i.l.bf16.f32 v7  }
0x1c3: {  	v10 =	vsub.bf16 v14, v10;
	v6 =	vand.u32 $0x7FFF7FFF, v6;
	v54 =	vunpack.i.u.bf16.f32 v19  }
0x1c4: {  	v55 =	vunpack.i.u.bf16.f32 v16;
	v12 =	vadd.f32 v17, v12;
	v57 =	vunpack.i.l.bf16.f32 v16  }
0x1c5: {  	v11 =	vadd.f32 v20, v11;
	v58 =	vunpack.i.l.bf16.f32 v19;
	v4 =	vadd.f32 v5, v4  }
0x1c6: {  	v23 =	vunpack.i.u.bf16.f32 v6;
	v15 =	vsub.bf16 v18, v15;
	v7 =	vadd.f32 v7, v21  }
0x1c7: {  	v6 =	vunpack.i.l.bf16.f32 v6;
	v14 =	vadd.f32 v58, v54;
	v61 =	vadd.f32 v57, v55  }
0x1c8: {  	v10 =	vand.u32 $0x7FFF7FFF, v10;
	v6 =	vadd.f32 v6, v23;
	v8 =	vadd.f32 v8, v11  }
0x1c9: {  	v56 =	vunpack.i.u.bf16.f32 v10;
	v10 =	vunpack.i.l.bf16.f32 v10;
	v9 =	vsub.bf16 v9, v13  }
0x1ca: {  	v15 =	vand.u32 $0x7FFF7FFF, v15;
	v7 =	vadd.f32 v7, v12;
	v6 =	vadd.f32 v6, v22  }
0x1cb: {  	v59 =	vunpack.i.u.bf16.f32 v15;
	v60 =	vunpack.i.l.bf16.f32 v15;
	v9 =	vand.u32 $0x7FFF7FFF, v9  }
0x1cc: {  	v11 =	vadd.f32 v60, v59;
	v62 =	vunpack.i.u.bf16.f32 v9;
	v9 =	vunpack.i.l.bf16.f32 v9  }
0x1cd: {  	v10 =	vadd.f32 v10, v56;
	v5 =	vadd.f32 v9, v62  }
0x1ce: {  	v3 =	vadd.f32 v61, v3;
	v63 =	vadd.f32 v14, v11  }
0x1cf: {  	v6 =	vadd.f32 v6, v8;
	v5 =	vadd.f32 v5, v10  }
0x1d0: {  	(xrf2) =	vadd.scan.msk.f32 $0xffff, v4;
	v4 =	vadd.f32 v63, v7  }
0x1d1: {  	(xrf2) =	vadd.scan.msk.f32 $0xffff, v6;
	v3 =	vadd.f32 v5, v3  }
0x1d2: {  	(xrf2) =	vadd.scan.msk.f32 $0xffff, v4  }
0x1d3: {  	(xrf2) =	vadd.scan.msk.f32 $0xffff, v3;
	_ =	sdelay $0x1  }
0x1d4: {  	v1 =	vbroadcast v1, $0x0;
	v3 =	vmov s0  }
0x1d5: {  	s28 =	sadd.s32 $0x3, s0;
	v3 =	vand.u32 $0xFFFFFFFC, v3  }
0x1d6: {  	v4 =	vmov s28;
	v3 =	vbroadcast v3, $0x0  }
0x1d7: {  	v2 =	vbroadcast v2, $0x0;
	_ =	sdelay $0x1  }
0x1d8: {  	v5, _, _ =	vpop (xrf2)  }
0x1d9: {  	[tilespmem:v1+s19+$0x0] =	vst.idx.msk vm0, v5;
	v1, _, _ =	vpop (xrf2)  }
0x1da: {  	[tilespmem:v4+s19+$0x0] =	vst.idx.msk vm0, v1;
	v1, _, _ =	vpop (xrf2)  }
0x1db: {  	[tilespmem:v3+s19+$0x0] =	vst.idx.msk vm0, v1;
	v1, _, _ =	vpop (xrf2)  }
0x1dc: {  	[tilespmem:v2+s19+$0x0] =	vst.idx.msk vm0, v1  }
0x1dd: {  	v1 =	vld [tilespmem:s6+$0x0];
	_ =	sdelay $0x4  }
0x1de: {  	v2 =	vld [tilespmem:s6+$0xFFFFFFF0];
	v1 =	vmul.f32 $-9.999999770e-03, v1;
	_ =	sdelay $0x1  }
0x1df: {  	v1 =	vmul.f32 $1.442695020e+00, v1;
	_ =	sdelay $0x1  }
0x1e0: {  	(erf) = vpow2.f32 v1  }
0x1e1: {  	v2 =	vmul.f32 $-9.999999770e-03, v2;
	_ =	sdelay $0x1  }
0x1e2: {  	v1 =	vmul.f32 $1.442695020e+00, v2;
	_ =	sdelay $0x1  }
0x1e3: {  	s29 =	simm.s32 $0xCF30;
	(erf) = vpow2.f32 v1  }
0x1e4: {  	v1 =	vld [tilespmem:s29+$0x0]  }
0x1e5: {  	v2 =	vld [tilespmem:s29+$0xFFFFFFF0];
	_ =	sdelay $0x1  }
0x1e6: {  	v3 =	vpop (erf)  }
0x1e7: {  	v3 =	vmul.f32 $1.442695020e+00, v3  }
0x1e8: {  	v1 =	vmul.f32 $-9.999999770e-03, v1  }
0x1e9: {  	v2 =	vmul.f32 $-9.999999770e-03, v2  }
0x1ea: {  	v1 =	vmul.f32 $1.442695020e+00, v1  }
0x1eb: {  	v2 =	vmul.f32 $1.442695020e+00, v2;
	(erf) = vpow2.f32 v3;
	v3 =	vpop (erf)  }
0x1ec: {  	(erf) = vpow2.f32 v1;
	v1 =	vmul.f32 $1.442695020e+00, v3  }
0x1ed: {  	(erf) = vpow2.f32 v2  }
0x1ee: {  	s30 =	simm.s32 $0xCF50;
	(erf) = vpow2.f32 v1  }
0x1ef: {  	v1 =	vld [tilespmem:s30+$0x0];
	_ =	sdelay $0x1  }
0x1f0: {  	v2 =	vld [tilespmem:s30+$0xFFFFFFF0];
	_ =	sdelay $0x1  }
0x1f1: {  	s31 =	sadd.s32 $0xFFFFFFE0, s9  }
0x1f2: {  	s4 =	sadd.s32 $0x2730, s31;
	v3 =	vpop (erf);
	v1 =	vmul.f32 $-9.999999770e-03, v1  }
0x1f3: {  	p0 =	slt.u32 s4, $0x4E200;
	v4 =	vpop (erf)  }
0x1f4: {  	s0 =	sadd.s32 $0x2720, s31;
	v2 =	vmul.f32 $-9.999999770e-03, v2;
	v5 =	vpop (erf);
	v6 =	vmul.f32 $1.442695020e+00, v1;
	v1 =	vpsel !p0, $0x0, v3  }
0x1f5: {  	p1 =	slt.u32 s0, $0x4E200;
	v4 =	vmul.f32 $1.442695020e+00, v4;
	[tilespmem:s25+$0x0] =	vst v1;
	v3 =	vpop (erf)  }
0x1f6: {  	v7 =	vmul.f32 $1.442695020e+00, v2;
	v2 =	vpsel !p1, $0x0, v3;
	v3 =	vld [tilespmem:s1+$0x0]  }
0x1f7: {  	(erf) = vpow2.f32 v4  }
0x1f8: {  	v5 =	vmul.f32 $1.442695020e+00, v5;
	(erf) = vpow2.f32 v6;
	[tilespmem:s25+$0xFFFFFFF0] =	vst v2  }
0x1f9: {  	(erf) = vpow2.f32 v7;
	v4 =	vld [tilespmem:s1+$0xFFFFFFF0]  }
0x1fa: {  	s5 =	simm.s32 $0x40;
	(erf) = vpow2.f32 v5  }
0x1fb: {  	s4 =	simm.s32 $0x0;
	s0 =	simm.s32 $0x20;
	s6 =	simm.s32 $0xCF70  }
.LBB2_16:
0x1fc: {  	v5 =	vld [tilespmem:s6+$0x0];
	s7 =	smov.u32 s5;
	s5 =	sadd.s32 $0x20, s5  }
0x1fd: {  	v6 =	vld [tilespmem:s6+$0xFFFFFFF0];
	p0 =	slt.u32 s5, $0x60  }
0x1fe: {  	s8 =	sadd.s32 s4, s9;
	s4 =	smov.u32 s0;
	s0 =	smov.u32 s7;
	[tilespmem:v3+s20+$0x0] =	vst.idx.add.f32.msk $0xffff, v1  }
0x1ff: {  	s7 =	sadd.s32 $0x2720, s8;
	s8 =	sadd.s32 $0x2730, s8  }
0x200: {  	p1 =	slt.u32 s7, $0x4E200;
	p2 =	slt.u32 s8, $0x4E200;
	v1 =	vpop (erf)  }
0x201: {  	s25 =	sadd.s32 $0x20, s25;
	v3 =	vmul.f32 $-9.999999770e-03, v5;
	v5 =	vpop (erf);
	v1 =	vpsel !p2, $0x0, v1;
	[tilespmem:v4+s20+$0x0] =	vst.idx.add.f32.msk $0xffff, v2  }
0x202: {  	s1 =	sadd.s32 $0x20, s1;
	v2 =	vmul.f32 $-9.999999770e-03, v6;
	v4 =	vmul.f32 $1.442695020e+00, v5;
	v5 =	vpop (erf);
	[tilespmem:s25+$0x0] =	vst v1  }
0x203: {  	v6 =	vmul.f32 $1.442695020e+00, v3;
	v5 =	vmul.f32 $1.442695020e+00, v5;
	v3 =	vld [tilespmem:s1+$0x0];
	v7 =	vpop (erf)  }
.Ltmp7:
0x204: {  	v8 =	vmul.f32 $1.442695020e+00, v2;
	(erf) = vpow2.f32 v4;
	v2 =	vpsel !p1, $0x0, v7;
	(pc) =	sbr.rel @p0 .LBB2_16-.Ltmp7, $4  }
0x205: {  	(erf) = vpow2.f32 v6;
	[tilespmem:s25+$0xFFFFFFF0] =	vst v2  }
0x206: {  	(erf) = vpow2.f32 v8;
	v4 =	vld [tilespmem:s1+$0xFFFFFFF0]  }
0x207: {  	(erf) = vpow2.f32 v5  }
0x208: {  	s6 =	sadd.s32 $0x20, s6  }
0x209: {  	_ =	sdelay $0x3  }
0x20a: {  	v5 =	vpop (erf)  }
0x20b: {  	v6 =	vpop (erf)  }
0x20c: {  	v6 =	vmul.f32 $1.442695020e+00, v6;
	v7 =	vpop (erf)  }
0x20d: {  	v7 =	vmul.f32 $1.442695020e+00, v7  }
0x20e: {  	(erf) = vpow2.f32 v6  }
0x20f: {  	(erf) = vpow2.f32 v7;
	_ =	sdelay $0x3  }
0x210: {  	s4 =	sadd.s32 s4, s9  }
0x211: {  	s5 =	sadd.s32 $0x2730, s4  }
0x212: {  	s0 =	sadd.s32 s0, s9;
	s4 =	sadd.s32 $0x2720, s4;
	p0 =	slt.u32 s5, $0x4E200  }
0x213: {  	s25 =	sadd.s32 $0x20, s25;
	s26 =	sadd.s32 $0x2730, s0;
	p1 =	slt.u32 s4, $0x4E200;
	v5 =	vpsel !p0, $0x0, v5;
	v62 =	vpop (erf)  }
0x214: {  	s1 =	sadd.s32 $0x20, s1;
	s0 =	sadd.s32 $0x2720, s0;
	p5 =	slt.u32 s26, $0x4E200;
	[tilespmem:s25+$0x0] =	vst v5;
	v6 =	vpsel !p1, $0x0, v62;
	v63 =	vpop (erf)  }
0x215: {  	s28 =	sadd.s32 $0x20, s25;
	p6 =	slt.u32 s0, $0x4E200;
	v8 =	vld [tilespmem:s1+$0x0];
	[tilespmem:s25+$0xFFFFFFF0] =	vst v6;
	v7 =	vpsel !p5, $0x0, v63;
	v9 =	vpop (erf)  }
0x216: {  	v10 =	vld [tilespmem:s1+$0xFFFFFFF0];
	s1 =	sadd.s32 $0x20, s1;
	[tilespmem:s28+$0x0] =	vst v7;
	v9 =	vpsel !p6, $0x0, v9  }
0x217: {  	v11 =	vld [tilespmem:s1+$0x0];
	[tilespmem:s28+$0xFFFFFFF0] =	vst v9  }
0x218: {  	v12 =	vld [tilespmem:s1+$0xFFFFFFF0];
	_ =	sdelay $0x2  }
0x219: {  	[tilespmem:v3+s20+$0x0] =	vst.idx.add.f32.msk $0xffff, v1  }
0x21a: {  	[tilespmem:v4+s20+$0x0] =	vst.idx.add.f32.msk $0xffff, v2  }
0x21b: {  	[tilespmem:v8+s20+$0x0] =	vst.idx.add.f32.msk $0xffff, v5  }
0x21c: {  	[tilespmem:v10+s20+$0x0] =	vst.idx.add.f32.msk $0xffff, v6  }
0x21d: {  	[tilespmem:v11+s20+$0x0] =	vst.idx.add.f32.msk $0xffff, v7  }
0x21e: {  	[tilespmem:v12+s20+$0x0] =	vst.idx.add.f32.msk $0xffff, v9  }
0x21f: {  	s29 =	simm.s32 $0xCF80;
	s0 =	rddreg [dreg:$0x4]  }
0x220: {  	[hbm4b:s0+s3] =	stream.linear.scatter [tilespmem:s29], [sflag:$0x5], $0x2780, $0x38;
	[tilespmem:$0x11E10] =	vst v63  }
0x221: {  	_ =	swait.ge [sflag:s10], $0x2780  }
0x222: {  	[sflag:s10] =	ssyncset.done $0x0  }
0x223: {  	s30 =	rddreg [dreg:$0x5];
	[sflag:s10] =	ssyncadd.s32 $0xFFFFD880  }
0x224: {  	[hbm4b:s30+s3] =	stream.linear.scatter [tilespmem:s20], [sflag:$0x5], $0x2710, $0x38;
	[tilespmem:$0x11E10] =	vst v63  }
0x225: {  	_ =	swait.ge [sflag:s10], $0x2710  }
0x226: {  	s24 =	sadd.s32 $0x1, s24;
	s31 =	rddreg [dreg:$0x6]  }
0x227: {  	p0 =	sne.s32 s24, s31  }
.Ltmp8:
0x228: {  	_ = 	snop;
	(pc) =	sbr.rel @p0 .LBB2_1-.Ltmp8, $3  }
0x229: {  	_ =	sdelay $0x1  }
0x22a: {  	[sflag:s10] =	ssyncset.done $0x0  }
0x22b: {  	s4 =	simm.s32 $0x2780;
	[sflag:s10] =	ssyncadd.s32 $0xFFFFD8F0  }
0x22c: {  	_ =	sfence.sel $0x180000  }
0x22d: {  	[bflag:$0x0] =	sbarrier.arrive $0xFFFF  }
0x22e: {  	_ =	strace $0x90000047  }
0x22f: {  	s0 =	stileid.u32;
	[bflag:$0x2] =	sbarrier.arrive $0xFFFF  }
0x230: {  	p0 =	sne.s32 s0, $0x0;
	s0 =	rddreg [dreg:$0x1]  }
0x231: {  	s0 =	sadd.s32 @!p0 $0x100000, s0  }
0x232: {  	[sflag:s0] =	ssyncadd.tile.s32 @!p0 $0x1;
	_ =	shalt  }
.Lfunc_end2:
_tile_overlayer_lowered:
.L_overlay_start_2:
0x233: {  	(tag) =	ssettag $0x2  }
0x234: {  	s0 =	rddreg [dreg:$0x0];
	s2 =	stileid.u32  }
0x235: {  	s1 =	rddreg [dreg:$0x1];
	p0 =	sne.s32 s2, $0x0  }
0x236: {  	s3 =	rddreg [dreg:$0x2];
	[bflag:$0x3] =	sbarrier.arrive $0xFFFF;
	s2 =	simm.s32 @!p0 $0x1C05  }
0x237: {  	[timem:s3], [sflag:s2] =	dma.local @!p0 [hbm:s0], s1  }
0x238: {  	s0 =	simm.s32 @!p0 $0x5  }
0x239: {  	_ =	swait.ge @!p0 [sflag:s0], s1  }
0x23a: {  	s1 =	ssub.s32 @!p0 $0x0, s1;
	[sflag:s0] =	ssyncset.done @!p0 $0x0  }
0x23b: {  	[sflag:s0] =	ssyncadd.s32 @!p0 s1  }
0x23c: {  	[bflag:$0x3] =	sbarrier.arrive $0xFFFF  }
0x23d: {  	_ =	shalt  }

// kernel: kernel.8.cloned.1.call-start
scs
__scs_entry_jumppad:
0x0: {  	(pc) =	sbr.rel $0x88, $3  }
0x1: {  	(tag) =	ssettag $0x0;
	lr =	simm.s32 $0x1  }
0x2: {  	[smem:$0x3F9F] =	sst lr;
	_ =	strace $0xD0000000  }
0x3: {  	_ = 	snop  }
0x4: {  	_ = 	snop  }
0x5: {  	_ = 	snop  }
0x6: {  	_ = 	snop  }
0x7: {  	_ = 	snop  }
__scs_overlays_trampoline_lowered:
0x8: {  	[smem:$0x3FAE] =	sst s0  }
0x9: {  	[smem:$0x3FAF] =	sst s1  }
0xa: {  	[smem:$0x3FB0] =	sst s2  }
0xb: {  	[smem:$0x3FB1] =	sst s3  }
0xc: {  	[smem:$0x3FB2] =	sst s4  }
0xd: {  	[smem:$0x3FB3] =	sst s5  }
0xe: {  	[smem:$0x3FB4] =	sst s6  }
0xf: {  	[smem:$0x3FB5] =	sst s7  }
0x10: {  	[smem:$0x3FB6] =	sst s8  }
0x11: {  	[smem:$0x3FB7] =	sst s9;
	s0 =	simm.s32 @!p0 $0x0  }
0x12: {  	s1 =	sld [smem:$0x3F9D];
	s0 =	simm.s32 @p0 $0x1  }
0x13: {  	[smem:$0x3FB8] =	sst s0;
	s0 =	simm.s32 @!p1 $0x0  }
0x14: {  	s2 =	sld [smem:$0x3F9C];
	s0 =	simm.s32 @p1 $0x1  }
0x15: {  	[smem:$0x3FB9] =	sst s0;
	s0 =	simm.s32 @!p2 $0x0  }
0x16: {  	s3 =	sld [smem:$0x3FDB];
	s0 =	simm.s32 @p2 $0x1  }
0x17: {  	s4 =	simm.s32 $0x1BF5;
	[smem:$0x3FBB] =	sst s0  }
0x18: {  	s0 =	sld [smem:$0x3F9E];
	_ =	swait.ge [sflag:s4], $0x0  }
0x19: {  	s7 =	sld [smem:$0x3F9F]  }
0x1a: {  	s8 =	sadd.s32 $0xFFFFE003, lr  }
0x1b: {  	s9 =	sadd.s32 $0xFFFFFEF7, lr;
	s5 =	simm.s32 $0xFFFFFFFF;
	p2 =	slt.u32 s8, $0xFFFFF086  }
0x1c: {  	p1 =	slt.u32 s9, $0xF7A;
	s5 =	simm.s32 @!p2 $0x0  }
0x1d: {  	s5 =	simm.s32 @p1 $0x1;
	p0 =	seq.s32 s7, s2  }
0x1e: {  	s7 =	smul.u32 @!p0 $0xF7A, s2;
	p2 =	seq.s32 @!p0 s5, $0x0  }
0x1f: {  	s9 =	smul.u32 $0xF7A, s1;
	s8 =	simm.s32 @!p0 $0x1BF5;
	p2 =	por !p2, p0  }
0x20: {  	[sflag:s8] =	ssyncset.s32 @!p0 $0xFFFFF086;
	s6 =	sadd.s32 @!p0 s3, s7;
	s7 =	simm.s32 @!p0 $0x108  }
0x21: {  	s3 =	sadd.s32 s3, s9;
	s6 =	sadd.s32 @!p0 $0x88, s6;
	s7 =	simm.s32 @p2 $0x1082  }
0x22: {  	[simem:s7], [sflag:s8] =	dma.local @!p0 [hbm:s6], $0xF7A  }
0x23: {  	s9 =	sor.u32 $0xD0000000, s2;
	s6 =	simm.s32 $0x108;
	_ =	swait.ge @!p0 [sflag:s8], $0x0  }
0x24: {  	s3 =	sadd.s32 $0x88, s3;
	s6 =	simm.s32 @!p1 $0x1082;
	[sflag:s4] =	ssyncset.s32 $0xFFFFF086  }
0x25: {  	[simem:s6], [sflag:s4] =	dma.local [hbm:s3], $0xF7A  }
0x26: {  	[smem:$0x3F9F] =	sst s1;
	(tag) =	ssettag s2;
	_ =	strace s9  }
0x27: {  	s1 =	sld [smem:$0x3FAF]  }
0x28: {  	s2 =	sld [smem:$0x3FB0]  }
0x29: {  	s4 =	sld [smem:$0x3FB2]  }
0x2a: {  	p0 =	seq.s32 s5, $0x0;
	s5 =	sld [smem:$0x3FB3]  }
0x2b: {  	s6 =	sld [smem:$0x3FB4]  }
0x2c: {  	s7 =	sld [smem:$0x3FB5]  }
0x2d: {  	s3 =	simm.s32 $0x108;
	s8 =	sld [smem:$0x3FB6]  }
0x2e: {  	s3 =	simm.s32 @!p0 $0x1082;
	s9 =	sld [smem:$0x3FB7]  }
0x2f: {  	lr =	sadd.s32 s0, s3;
	s0 =	sld [smem:$0x3FAE]  }
0x30: {  	s3 =	sld [smem:$0x3FB1]  }
0x31: {  	[smem:$0x3FBA] =	sst s10  }
0x32: {  	s10 =	sld [smem:$0x3FB8];
	_ =	sdelay $0x3  }
0x33: {  	p0 =	seq.s32 s10, $0x1;
	s10 =	sld [smem:$0x3FBA];
	_ =	sdelay $0x3  }
0x34: {  	[smem:$0x3FBA] =	sst s10  }
0x35: {  	s10 =	sld [smem:$0x3FB9];
	_ =	sdelay $0x3  }
0x36: {  	p1 =	seq.s32 s10, $0x1;
	s10 =	sld [smem:$0x3FBA];
	_ =	sdelay $0x3  }
0x37: {  	[smem:$0x3FBA] =	sst s10  }
0x38: {  	s10 =	sld [smem:$0x3FBB]  }
0x39: {  	_ = 	snop;
	(pc) =	sbr.ind lr, $3  }
0x3a: {  	_ = 	snop  }
0x3b: {  	_ = 	snop  }
0x3c: {  	p2 =	seq.s32 s10, $0x1;
	s10 =	sld [smem:$0x3FBA]  }
0x3d: {  	_ =	shalt  }
0x3e: {  	_ =	shalt  }
0x3f: {  	_ =	shalt  }
0x40: {  	_ =	shalt  }
0x41: {  	_ =	shalt  }
0x42: {  	_ =	shalt  }
0x43: {  	_ =	shalt  }
0x44: {  	_ =	shalt  }
0x45: {  	_ =	shalt  }
0x46: {  	_ =	shalt  }
0x47: {  	_ =	shalt  }
0x48: {  	_ =	shalt  }
0x49: {  	_ =	shalt  }
0x4a: {  	_ =	shalt  }
0x4b: {  	_ =	shalt  }
0x4c: {  	_ =	shalt  }
0x4d: {  	_ =	shalt  }
0x4e: {  	_ =	shalt  }
0x4f: {  	_ =	shalt  }
0x50: {  	_ =	shalt  }
0x51: {  	_ =	shalt  }
0x52: {  	_ =	shalt  }
0x53: {  	_ =	shalt  }
0x54: {  	_ =	shalt  }
0x55: {  	_ =	shalt  }
0x56: {  	_ =	shalt  }
0x57: {  	_ =	shalt  }
0x58: {  	_ =	shalt  }
0x59: {  	_ =	shalt  }
0x5a: {  	_ =	shalt  }
0x5b: {  	_ =	shalt  }
0x5c: {  	_ =	shalt  }
0x5d: {  	_ =	shalt  }
0x5e: {  	_ =	shalt  }
0x5f: {  	_ =	shalt  }
0x60: {  	_ =	shalt  }
0x61: {  	_ =	shalt  }
0x62: {  	_ =	shalt  }
0x63: {  	_ =	shalt  }
0x64: {  	_ =	shalt  }
0x65: {  	_ =	shalt  }
0x66: {  	_ =	shalt  }
0x67: {  	_ =	shalt  }
0x68: {  	_ =	shalt  }
0x69: {  	_ =	shalt  }
0x6a: {  	_ =	shalt  }
0x6b: {  	_ =	shalt  }
0x6c: {  	_ =	shalt  }
0x6d: {  	_ =	shalt  }
0x6e: {  	_ =	shalt  }
0x6f: {  	_ =	shalt  }
0x70: {  	_ =	shalt  }
0x71: {  	_ =	shalt  }
0x72: {  	_ =	shalt  }
0x73: {  	_ =	shalt  }
0x74: {  	_ =	shalt  }
0x75: {  	_ =	shalt  }
0x76: {  	_ =	shalt  }
0x77: {  	_ =	shalt  }
0x78: {  	_ =	shalt  }
0x79: {  	_ =	shalt  }
0x7a: {  	_ =	shalt  }
0x7b: {  	_ =	shalt  }
0x7c: {  	_ =	shalt  }
0x7d: {  	_ =	shalt  }
0x7e: {  	_ =	shalt  }
0x7f: {  	_ =	shalt  }
0x80: {  	_ =	shalt  }
0x81: {  	_ =	shalt  }
0x82: {  	_ =	shalt  }
0x83: {  	_ =	shalt  }
0x84: {  	_ =	shalt  }
0x85: {  	_ =	shalt  }
0x86: {  	_ =	shalt  }
0x87: {  	_ =	shalt  }
.Lfunc_end0:
.L_simem_size_0:
called_computation.1_lowered:
.L_overlay_start_0:
0x88: {  	s2 =	sld [smem:$0x3FD9]  }
0x89: {  	s3 =	sld [smem:$0x3FFE];
	_ =	sdelay $0x1  }
0x8a: {  	s1 =	srdreg.scid  }
0x8b: {  	s0 =	sand.u32 $0x1, s1  }
0x8c: {  	s17 =	sshll.u32 s0, $0xA;
	s2 =	sadd.s32 s3, s2  }
0x8d: {  	s2 =	sadd.s32 s2, s17  }
0x8e: {  	[smem:$0x3FC6] =	sst s2  }
0x8f: {  	_ = 	snop  }
0x90: {  	s2 =	sld [smem:$0x3FD0];
	(tm) =	ssettm $0x1  }
0x91: {  	s18 =	sld [smem:$0x3FFB];
	_ =	sdelay $0x3  }
0x92: {  	_ =	strace s18  }
0x93: {  	s3 =	sld [smem:$0x3FFC];
	_ =	sdelay $0x3  }
0x94: {  	_ =	strace s3  }
0x95: {  	s3 =	sld [smem:$0x3FFD];
	_ =	sdelay $0x3  }
0x96: {  	_ =	strace s3  }
0x97: {  	_ =	strace $0x8FFFFFFF  }
0x98: {  	s19 =	sld [smem:$0x3FDB];
	_ =	sdelay $0x1  }
0x99: {  	s4 =	simm.s32 $_scs_section_size  }
0x9a: {  	s5 =	simm.s32 $_size__tile_overlayer_lowered;
	s6 =	simm.s32 $_tile_overlayer_lowered  }
0x9b: {  	s22 =	simm.s32 $0x1BFF;
	s21 =	sshll.u32 s6, $0x1;
	s3 =	sadd.s32 s4, s19  }
0x9c: {  	s7 =	simm.s32 $0x0;
	s20 =	sshll.u32 s5, $0x1;
	s5 =	sadd.s32 s21, s3  }
0x9d: {  	[timem:s7], [sflag:s22] =	dma.local [hbm:s5], s20  }
0x9e: {  	_ =	swait.ge [sflag:s22], s20  }
0x9f: {  	s4 =	ssub.s32 $0x0, s20;
	[sflag:s22] =	ssyncset.done $0x0  }
0xa0: {  	[sflag:s22] =	ssyncadd.s32 s4;
	_ =	sdelay $0x1  }
0xa1: {  	s23 =	simm.s32 $0x1B8B  }
0xa2: {  	_ =	swait.ge [sflag:s23], $0x1  }
0xa3: {  	[sflag:s23] =	ssyncset.done $0x0  }
0xa4: {  	s25 =	simm.s32 $0x1B8E;
	s24 =	sld [smem:$0x3FFE];
	[sflag:s23] =	ssyncadd.s32 $0xFFFFFFFF  }
0xa5: {  	s26 =	simm.s32 $execute0_lowered;
	[smem:$0x3FD2] =	sst s25  }
0xa6: {  	s5 =	sshll.u32 s26, $0x1;
	_ =	strace $0x80000049;
	[dreg:$0x1] =	wrdreg $0xFFFFFFFF  }
0xa7: {  	s28 =	simm.s32 $_size_execute0_lowered;
	s3 =	sadd.s32 s3, s5;
	[dreg:$0x0] =	wrdreg $0x0  }
0xa8: {  	s5 =	sshll.u32 s28, $0x1;
	[dreg:$0x2] =	wrdreg s3  }
0xa9: {  	[dreg:$0x3] =	wrdreg s5  }
0xaa: {  	[dreg:$0x4] =	wrdreg $0xC0  }
0xab: {  	_ =	task [dreg:s7], $0x5FFFF  }
0xac: {  	[dreg:$0x1] =	wrdreg $0xFFFFFFFF  }
0xad: {  	[dreg:$0x0] =	wrdreg $0x60  }
0xae: {  	[dreg:$0x2] =	wrdreg s24  }
0xaf: {  	[dreg:$0x3] =	wrdreg s2  }
0xb0: {  	[dreg:$0x4] =	wrdreg $0x9  }
0xb1: {  	_ =	task.clear_ibuf [dreg:s7], $0x5FFFF;
	_ =	strace $0x90000049  }
0xb2: {  	s29 =	simm.s32 $0x9;
	_ =	strace $0x8000004B  }
0xb3: {  	_ =	swait.ge [sflag:s29], $0x1  }
0xb4: {  	[sflag:s29] =	ssyncadd.s32 $0xFFFFFFFF  }
0xb5: {  	_ =	strace $0x9000004B  }
0xb6: {  	_ =	sfence  }
0xb7: {  	s30 =	sld [smem:$0x0];
	_ =	sdelay $0x2  }
0xb8: {  	s31 =	sshll.u32 s1, $0xD;
	s1 =	sshrl.u32 s1, $0x2  }
0xb9: {  	s3 =	sand.u32 $0x4000, s31;
	s1 =	sadd.s32 s1, s30  }
0xba: {  	s0 =	sor.u32 s3, s0;
	s1 =	sshll.u32 s1, $0x11  }
0xbb: {  	s0 =	sor.u32 s1, s0  }
0xbc: {  	s0 =	sadd.s32 $0x8F2B, s0  }
0xbd: {  	[sflag:s0] =	ssyncadd.remote.s32 $0x1  }
0xbe: {  	_ =	sfence.sel $0xFFFF  }
0xbf: {  	[dreg:$0x0] =	wrdreg $0xFFFFFFFF;
	(pc) =	sbr.abs _section_cstart, $3  }
0xc0: {  	[dreg:$0x1] =	wrdreg $0xFFFFFFFF  }
0xc1: {  	_ =	task.clear_ibuf [dreg:s7], $0x2FFFF;
	_ =	strace $0x9FFFFFFF  }
0xc2: {  	(tm) =	ssettm $0x7FFFFFFF  }
0xc3: {  	_ =	shalt  }
tec
execute0_lowered:
.L_overlay_start_1:
0x0: {  	(tag) =	ssettag $0x1  }
0x1: {  	s1 =	srdreg.scid  }
0x2: {  	s0 =	stileid.u32;
	s4 =	rddreg [dreg:$0x0]  }
0x3: {  	s2 =	rddreg [dreg:$0x1];
	s3 =	simm.s32 $0x0;
	s8 =	simm.s32 $0x5  }
0x4: {  	s9 =	simm.s32 $0x80;
	s10 =	simm.s32 $0x2600;
	s11 =	simm.s32 $0x7500  }
0x5: {  	s12 =	simm.s32 $0x2680;
	s13 =	simm.s32 $0x7580;
	s14 =	simm.s32 $0x2700  }
0x6: {  	s15 =	simm.s32 $0x7600;
	s16 =	simm.s32 $0x2780;
	s17 =	simm.s32 $0x1  }
0x7: {  	s18 =	simm.s32 $0x2;
	s5 =	sand.u32 $0x1, s1;
	s31 =	sshll.u32 s0, $0x1  }
0x8: {  	s19 =	simm.s32 $0x3;
	s20 =	simm.s32 $0x4;
	s6 =	sor.u32 s5, s31  }
0x9: {  	s1 =	rddreg [dreg:$0x2];
	s5 =	ssub.s32 $0x2, s5;
	s6 =	smul.u32 $0x4F0, s6  }
0xa: {  	s21 =	simm.s32 $0x0;
	[smem:$0x7FF] =	sst s3;
	s7 =	sshrl.u32 s5, $0x1  }
0xb: {  	_ =	strace $0x8000004A;
	s7 =	ssub.s32 s5, s7;
	s4 =	sadd.s32 s4, s6  }
0xc: {  	s7 =	smax.u32 s7, $0x1;
	s5 =	sadd.s32 $0x1D800, s4;
	s6 =	sadd.s32 $0x31400, s4  }
.LBB2_1:
0xd: {  	[tilespmem:s3], [sflag:$0x5] =	stream.linear.gather [hbm4b:s5+s3], $0x2780, $0x38;
	[tilespmem:$0x7680] =	vst v63  }
0xe: {  	_ =	swait.ge [sflag:s8], $0x2780  }
0xf: {  	s22 =	simm.s32 $0x0;
	s23 =	simm.s32 $0x4F00;
	[sflag:s8] =	ssyncset.done $0x0  }
0x10: {  	s28 =	simm.s32 $0x4F80;
	s29 =	simm.s32 $0x80;
	[sflag:s8] =	ssyncadd.s32 $0xFFFFD880  }
0x11: {  	[tilespmem:s23], [sflag:$0x1] =	stream.indirect.gather [hbm4b:s2+s9], $0x1, s22, s9, $0xb8;
	[tilespmem:$0x7680] =	vst v63  }
0x12: {  	s30 =	simm.s32 $0x5000;
	s31 =	simm.s32 $0x100;
	s24 =	simm.s32 $0x5080  }
0x13: {  	[tilespmem:s28], [sflag:$0x2] =	stream.indirect.gather [hbm4b:s2+s9], $0x1, s29, s9, $0xb8;
	[tilespmem:$0x7680] =	vst v63  }
0x14: {  	s25 =	simm.s32 $0x180;
	s22 =	simm.s32 $0x200;
	s23 =	simm.s32 $0x1000  }
0x15: {  	[tilespmem:s30], [sflag:$0x3] =	stream.indirect.gather [hbm4b:s2+s9], $0x1, s31, s9, $0xb8;
	[tilespmem:$0x7680] =	vst v63  }
.LBB2_2:
0x16: {  	[tilespmem:s24], [sflag:$0x4] =	stream.indirect.gather [hbm4b:s2+s9], $0x1, s25, s9, $0xb8;
	[tilespmem:$0x7680] =	vst v63  }
0x17: {  	s24 =	smov.u32 s23;
	s28 =	sadd.s32 $0x800, s23  }
0x18: {  	p0 =	sne.s32 s23, $0x9000;
	s26 =	sshra.s32 s24, $0x2;
	s24 =	sadd.s32 $0x4F00, s22  }
0x19: {  	[tilespmem:s24], [sflag:$0x1] =	stream.indirect.gather [hbm4b:s2+s9], $0x1, s22, s9, $0xb8;
	[tilespmem:$0x7680] =	vst v63  }
.Ltmp0:
0x1a: {  	s25 =	sadd.s32 $0x80, s22;
	s24 =	sadd.s32 $0x4F80, s22;
	(pc) =	sbr.rel @p0 .LBB2_2-.Ltmp0, $4  }
0x1b: {  	[tilespmem:s24], [sflag:$0x2] =	stream.indirect.gather [hbm4b:s2+s9], $0x1, s25, s9, $0xb8;
	[tilespmem:$0x7680] =	vst v63  }
0x1c: {  	s23 =	sadd.s32 $0x5000, s22;
	s24 =	sadd.s32 $0x100, s22;
	s25 =	sadd.s32 $0x180, s22  }
0x1d: {  	[tilespmem:s23], [sflag:$0x3] =	stream.indirect.gather [hbm4b:s2+s9], $0x1, s24, s9, $0xb8;
	[tilespmem:$0x7680] =	vst v63  }
0x1e: {  	s24 =	sadd.s32 $0x5080, s22;
	s22 =	smov.u32 s26;
	s23 =	smov.u32 s28  }
0x1f: {  	[tilespmem:s24], [sflag:$0x4] =	stream.indirect.gather [hbm4b:s2+s9], $0x1, s25, s9, $0xb8;
	[tilespmem:$0x7680] =	vst v63  }
0x20: {  	s23 =	sadd.s32 $0x4F00, s22  }
0x21: {  	[tilespmem:s23], [sflag:$0x1] =	stream.indirect.gather [hbm4b:s2+s9], $0x1, s22, s9, $0xb8;
	[tilespmem:$0x7680] =	vst v63  }
0x22: {  	s25 =	sadd.s32 $0x4F80, s22;
	s26 =	sadd.s32 $0x80, s22  }
0x23: {  	[tilespmem:s25], [sflag:$0x2] =	stream.indirect.gather [hbm4b:s2+s9], $0x1, s26, s9, $0xb8;
	[tilespmem:$0x7680] =	vst v63  }
0x24: {  	s28 =	sadd.s32 $0x5000, s22;
	s29 =	sadd.s32 $0x100, s22  }
0x25: {  	[tilespmem:s28], [sflag:$0x3] =	stream.indirect.gather [hbm4b:s2+s9], $0x1, s29, s9, $0xb8;
	[tilespmem:$0x7680] =	vst v63  }
0x26: {  	s30 =	sadd.s32 $0x5080, s22;
	s31 =	sadd.s32 $0x180, s22  }
0x27: {  	[tilespmem:s30], [sflag:$0x4] =	stream.indirect.gather [hbm4b:s2+s9], $0x1, s31, s9, $0xb8;
	[tilespmem:$0x7680] =	vst v63  }
0x28: {  	_ = 	snop  }
0x29: {  	[tilespmem:s11], [sflag:$0x1] =	stream.indirect.gather [hbm4b:s2+s9], $0x1, s10, s9, $0xb8;
	[tilespmem:$0x7680] =	vst v63  }
0x2a: {  	_ = 	snop  }
0x2b: {  	[tilespmem:s13], [sflag:$0x2] =	stream.indirect.gather [hbm4b:s2+s9], $0x1, s12, s9, $0xb8;
	[tilespmem:$0x7680] =	vst v63  }
0x2c: {  	_ = 	snop  }
0x2d: {  	[tilespmem:s15], [sflag:$0x3] =	stream.indirect.gather [hbm4b:s2+s9], $0x1, s14, s9, $0xb8;
	[tilespmem:$0x7680] =	vst v63  }
0x2e: {  	_ = 	snop  }
0x2f: {  	[tilespmem:s16], [sflag:$0x5] =	stream.linear.gather [hbm4b:s6+s3], $0x2780, $0x38;
	[tilespmem:$0x7680] =	vst v63  }
0x30: {  	_ =	swait.ge [sflag:s8], $0x2780  }
0x31: {  	[sflag:s8] =	ssyncset.done $0x0  }
0x32: {  	[sflag:s8] =	ssyncadd.s32 $0xFFFFD880  }
0x33: {  	_ =	swait.ge [sflag:s17], $0x80  }
0x34: {  	[sflag:s17] =	ssyncset.done $0x0  }
0x35: {  	[sflag:s17] =	ssyncadd.s32 $0xFFFFFF80  }
0x36: {  	_ =	swait.ge [sflag:s18], $0x80  }
0x37: {  	[sflag:s18] =	ssyncset.done $0x0  }
0x38: {  	[sflag:s18] =	ssyncadd.s32 $0xFFFFFF80  }
0x39: {  	_ =	swait.ge [sflag:s19], $0x80  }
0x3a: {  	[sflag:s19] =	ssyncset.done $0x0  }
0x3b: {  	[sflag:s19] =	ssyncadd.s32 $0xFFFFFF80  }
0x3c: {  	_ =	swait.ge [sflag:s20], $0x80  }
0x3d: {  	s22 =	simm.s32 $0x12;
	[sflag:s20] =	ssyncset.done $0x0  }
.LBB2_4:
0x3e: {  	p0 =	sne.s32 s22, $0x1;
	s22 =	sadd.s32 $0xFFFFFFFF, s22;
	[sflag:s20] =	ssyncadd.s32 $0xFFFFFF80  }
0x3f: {  	_ =	swait.ge [sflag:s17], $0x80  }
0x40: {  	[sflag:s17] =	ssyncset.done $0x0  }
0x41: {  	[sflag:s17] =	ssyncadd.s32 $0xFFFFFF80  }
0x42: {  	_ =	swait.ge [sflag:s18], $0x80  }
0x43: {  	[sflag:s18] =	ssyncset.done $0x0  }
0x44: {  	[sflag:s18] =	ssyncadd.s32 $0xFFFFFF80  }
.Ltmp1:
0x45: {  	_ =	swait.ge [sflag:s19], $0x80;
	(pc) =	sbr.rel @p0 .LBB2_4-.Ltmp1, $4  }
0x46: {  	[sflag:s19] =	ssyncset.done $0x0  }
0x47: {  	[sflag:s19] =	ssyncadd.s32 $0xFFFFFF80  }
0x48: {  	_ =	swait.ge [sflag:s20], $0x80  }
0x49: {  	[sflag:s20] =	ssyncset.done $0x0  }
0x4a: {  	[sflag:s20] =	ssyncadd.s32 $0xFFFFFF80  }
0x4b: {  	_ =	swait.ge [sflag:s17], $0x80  }
0x4c: {  	[sflag:s17] =	ssyncset.done $0x0  }
0x4d: {  	[sflag:s17] =	ssyncadd.s32 $0xFFFFFF80  }
0x4e: {  	_ =	swait.ge [sflag:s18], $0x80  }
0x4f: {  	[sflag:s18] =	ssyncset.done $0x0  }
0x50: {  	[sflag:s18] =	ssyncadd.s32 $0xFFFFFF80  }
0x51: {  	_ =	swait.ge [sflag:s19], $0x80  }
0x52: {  	[sflag:s19] =	ssyncset.done $0x0  }
0x53: {  	s22 =	simm.s32 $0x0;
	[sflag:s19] =	ssyncadd.s32 $0xFFFFFF80  }
0x54: {  	s23 =	simm.s32 $0x40;
	v0 =	vld [tilespmem:s22+$0x4F00]  }
.LBB2_6:
0x55: {  	p0 =	sne.s32 s23, $0x9DC0;
	v1 =	vld [tilespmem:s22+$0x2780];
	_ =	sdelay $0x2  }
.Ltmp2:
0x56: {  	(pc) =	sbr.rel @p0 .LBB2_6-.Ltmp2, $4  }
0x57: {  	_ = 	snop  }
0x58: {  	v1 =	vmul.f32 v0, v1  }
0x59: {  	s24 =	sshra.s32 s23, $0x2  }
0x5a: {  	s23 =	sadd.s32 $0x40, s23;
	v0 =	vld [tilespmem:s24+$0x4F00];
	[tilespmem:s22+$0x2780] =	vst v1;
	s22 =	smov.u32 s24  }
0x5b: {  	v1 =	vld [tilespmem:s22+$0x2780];
	_ =	sdelay $0x4  }
0x5c: {  	s21 =	sadd.s32 $0x1, s21;
	v0 =	vmul.f32 v0, v1  }
0x5d: {  	p0 =	sne.s32 s21, s7  }
.Ltmp3:
0x5e: {  	[tilespmem:s22+$0x2780] =	vst v0;
	(pc) =	sbr.rel @p0 .LBB2_1-.Ltmp3, $4  }
0x5f: {  	[hbm4b:s4+s3] =	stream.linear.scatter [tilespmem:s16], [sflag:$0x5], $0x2780, $0x38;
	[tilespmem:$0x7680] =	vst v63  }
0x60: {  	_ =	swait.ge [sflag:s8], $0x2780  }
0x61: {  	[sflag:s8] =	ssyncset.done $0x0  }
0x62: {  	[sflag:s8] =	ssyncadd.s32 $0xFFFFD880  }
0x63: {  	_ =	sfence.sel $0x180000  }
0x64: {  	[bflag:$0x0] =	sbarrier.arrive $0xFFFF  }
0x65: {  	p0 =	sne.s32 s0, $0x0;
	_ =	strace $0x9000004A  }
0x66: {  	s0 =	sadd.s32 @!p0 $0x100000, s1;
	[bflag:$0x2] =	sbarrier.arrive $0xFFFF  }
0x67: {  	[sflag:s0] =	ssyncadd.tile.s32 @!p0 $0x1;
	_ =	shalt  }
.Lfunc_end2:
_tile_overlayer_lowered:
.L_overlay_start_2:
0x68: {  	(tag) =	ssettag $0x2  }
0x69: {  	s0 =	rddreg [dreg:$0x0];
	s2 =	stileid.u32  }
0x6a: {  	s1 =	rddreg [dreg:$0x1];
	p0 =	sne.s32 s2, $0x0  }
0x6b: {  	s3 =	rddreg [dreg:$0x2];
	[bflag:$0x3] =	sbarrier.arrive $0xFFFF;
	s2 =	simm.s32 @!p0 $0x1C05  }
0x6c: {  	[timem:s3], [sflag:s2] =	dma.local @!p0 [hbm:s0], s1  }
0x6d: {  	s0 =	simm.s32 @!p0 $0x5  }
0x6e: {  	_ =	swait.ge @!p0 [sflag:s0], s1  }
0x6f: {  	s1 =	ssub.s32 @!p0 $0x0, s1;
	[sflag:s0] =	ssyncset.done @!p0 $0x0  }
0x70: {  	[sflag:s0] =	ssyncadd.s32 @!p0 s1  }
0x71: {  	[bflag:$0x3] =	sbarrier.arrive $0xFFFF  }
0x72: {  	_ =	shalt  }

</sc_bundles>
